<compile_context>
chip_gen: v7x
topology: tpu7x:2x2x1
jax: 0.10.2.dev20260603
libtpu: 0.0.44.dev20260713+nightly
codegen_flags: <defaults>
</compile_context>

<pallas_src>
import functools

import jax
import jax.numpy as jnp
from jax import lax
from jax.experimental import pallas as pl
from jax.experimental.pallas import tpu as pltpu
from jax.experimental.pallas import tpu_sc as plsc

B = 1024
IN_DIM = 768
NUM_TASKS = 8
NUM_EXPERTS = 64
NUM_SHARED = 2
WIDTH = 128
HEAD_DIM = 32
P = 2 * B
TILE = 128
NTILES = P // TILE
NSTEPS = 80


def _dot00(a, b, prefer=jnp.float32):
    return lax.dot_general(a, b, (((0,), (0,)), ((), ())),
                           preferred_element_type=prefer)


def _route_body(task_ref, gk_ref, offs_ref, eid_ref, tl_ref,
                tok_ref, ws_ref, tid_ref):
    task = task_ref[...]
    logits = jnp.dot(task, gk_ref[...], preferred_element_type=jnp.float32)
    iota_e = lax.broadcasted_iota(jnp.int32, (B, NUM_EXPERTS), 1)
    m1 = jnp.max(logits, axis=1, keepdims=True)
    i1 = jnp.min(jnp.where(logits == m1, iota_e, NUM_EXPERTS), axis=1,
                 keepdims=True)
    l2 = jnp.where(iota_e == i1, -jnp.inf, logits)
    m2 = jnp.max(l2, axis=1, keepdims=True)
    i2 = jnp.min(jnp.where(l2 == m2, iota_e, NUM_EXPERTS), axis=1,
                 keepdims=True)
    w1 = 1.0 / (1.0 + jnp.exp(m2 - m1))

    t_iota = lax.broadcasted_iota(jnp.int32, (B, NUM_TASKS), 1)
    tmax = jnp.max(task, axis=1, keepdims=True)
    tid_ref[...] = jnp.min(jnp.where(task == tmax, t_iota, NUM_TASKS),
                           axis=1, keepdims=True)

    o0 = (iota_e == i1).astype(jnp.float32)
    o1 = (iota_e == i2).astype(jnp.float32)
    c0 = jnp.sum(o0, axis=0, keepdims=True)
    c = c0 + jnp.sum(o1, axis=0, keepdims=True)
    r_i = lax.broadcasted_iota(jnp.int32, (B, B), 0)
    c_i = lax.broadcasted_iota(jnp.int32, (B, B), 1)
    lstrict = (c_i < r_i).astype(jnp.float32)
    cc0 = jnp.dot(lstrict, o0, preferred_element_type=jnp.float32)
    cc1 = jnp.dot(lstrict, o1, preferred_element_type=jnp.float32)
    ue_i = lax.broadcasted_iota(jnp.int32, (NUM_EXPERTS, NUM_EXPERTS), 0)
    ue_j = lax.broadcasted_iota(jnp.int32, (NUM_EXPERTS, NUM_EXPERTS), 1)
    ustrict = (ue_i < ue_j).astype(jnp.float32)
    q = jnp.dot(o0 + o1, ustrict, preferred_element_type=jnp.float32)
    off = jnp.sum(q, axis=0, keepdims=True)
    pos0 = jnp.sum(o0 * (off + cc0), axis=1, keepdims=True)
    pos1 = jnp.sum(o1 * (off + c0 + cc1), axis=1, keepdims=True)

    hi_row = off + c
    t0r = jnp.floor(off * (1.0 / TILE))
    t1r = jnp.floor((hi_row - 1.0) * (1.0 / TILE))
    ntr = jnp.where(c > 0, t1r - t0r + 1.0, 0.0)
    gbr = jnp.dot(ntr, ustrict, preferred_element_type=jnp.float32)
    ones11 = jnp.ones((1, 1), jnp.float32)
    gb_c = _dot00(gbr, ones11)
    nt_c = _dot00(ntr, ones11)
    t0_c = _dot00(t0r, ones11)
    e_colf = lax.broadcasted_iota(jnp.int32, (NUM_EXPERTS, 1), 0).astype(
        jnp.float32)
    s_row = lax.broadcasted_iota(jnp.int32, (1, NSTEPS + 48), 1)
    g_row = jnp.where(s_row < NSTEPS,
                      (s_row % 20) * 4 + s_row // 20,
                      127).astype(jnp.float32)
    inr = ((g_row >= gb_c) & (g_row < gb_c + nt_c)).astype(jnp.float32)
    cover = jnp.sum(inr, axis=0, keepdims=True)
    eid = jnp.sum(inr * e_colf, axis=0, keepdims=True) + NUM_EXPERTS * (
        1.0 - cover)
    tl = jnp.sum(inr * (g_row - gb_c + t0_c), axis=0, keepdims=True) + (
        NTILES - 1.0) * (1.0 - cover)
    eid_ref[...] = eid.astype(jnp.int32)
    tl_ref[...] = tl.astype(jnp.int32)

    tok_i = lax.broadcasted_iota(jnp.int32, (B, 1), 0)
    tok_hi = (tok_i // 64).astype(jnp.float32)
    tok_lo = (tok_i % 64).astype(jnp.float32)
    w2 = 1.0 - w1

    def _payload(w):
        wa = w.astype(jnp.bfloat16).astype(jnp.float32)
        return jnp.concatenate([tok_hi, tok_lo, wa, w - wa], axis=1)

    vals0 = _payload(w1)
    vals1 = _payload(w2)
    lane = lax.broadcasted_iota(jnp.int32, (1, TILE), 1).astype(jnp.float32)
    for j in range(NTILES):
        p_row = lane + (j * TILE)
        m0 = (pos0 == p_row).astype(jnp.float32)
        m1h = (pos1 == p_row).astype(jnp.float32)
        st = _dot00(m0, vals0) + _dot00(m1h, vals1)
        tok_ref[pl.ds(j * TILE, TILE), :] = (
            st[:, 0:1] * 64.0 + st[:, 1:2]).astype(jnp.int32)
        ws_ref[pl.ds(j * TILE, TILE), :] = st[:, 2:3] + st[:, 3:4]
    offs_ref[...] = jnp.concatenate(
        [off, jnp.full((1, NUM_EXPERTS), float(P), jnp.float32)],
        axis=1).astype(jnp.int32)


_SC_WORKERS = 32
_ROWS_PER_W = P // _SC_WORKERS


def _sc_gather_body(feats_hbm, idx_hbm, out_hbm, idx_v, rows_v, sem):
    wid = lax.axis_index("s") * 2 + lax.axis_index("c")
    base = wid * _ROWS_PER_W
    pltpu.sync_copy(idx_hbm.at[pl.ds(base, _ROWS_PER_W)], idx_v)
    pltpu.async_copy(feats_hbm.at[idx_v], rows_v, sem).wait()
    pltpu.sync_copy(rows_v, out_hbm.at[pl.ds(base, _ROWS_PER_W)])


def _sc_gather(feats, idx):
    fn = functools.partial(
        pl.kernel,
        out_type=jax.ShapeDtypeStruct((P, IN_DIM), jnp.float32),
        mesh=plsc.VectorSubcoreMesh(core_axis_name="c",
                                    subcore_axis_name="s"),
        scratch_types=[
            pltpu.VMEM((_ROWS_PER_W,), jnp.int32),
            pltpu.VMEM((_ROWS_PER_W, IN_DIM), jnp.float32),
            pltpu.SemaphoreType.DMA,
        ],
    )(_sc_gather_body)
    return fn(feats, idx)


def _moe_body(offs_ref, eid_ref, tl_ref, feats_ref, xs_in_ref, rk_ref,
              rb_ref, sk_ref, sb_ref, hk_ref, hb_ref, tok_ref, ws_ref,
              tid_ref, out_ref, hacc_ref, otok_ref):
    g = pl.program_id(0)
    xs_ref = xs_in_ref

    @pl.when(g == 0)
    def _prologue():
        feats = feats_ref[...]
        hacc_ref[...] = jnp.zeros((P, WIDTH), jnp.float32)
        s = jnp.zeros((B, WIDTH), jnp.float32)
        for j in range(NUM_SHARED):
            h = jnp.dot(feats, sk_ref[j], preferred_element_type=jnp.float32)
            s = s + jax.nn.relu(h + sb_ref[j][None, :])
        otok_ref[...] = s * (1.0 / NUM_SHARED)

    e = eid_ref[g]
    emin = jnp.minimum(e, NUM_EXPERTS - 1)
    lo = offs_ref[e]
    hi = offs_ref[e + 1]
    base = tl_ref[g] * TILE
    w_e = rk_ref[pl.ds(emin, 1)][0]
    b_e = rb_ref[pl.ds(emin, 1), :]
    row_iota = lax.broadcasted_iota(jnp.int32, (TILE, 1), 0)

    xt = xs_ref[pl.ds(base, TILE), :]
    h = jnp.dot(xt, w_e, preferred_element_type=jnp.float32)
    h = jax.nn.relu(h + b_e)
    p_glob = base + row_iota
    mask = (p_glob >= lo) & (p_glob < hi)
    wrow = ws_ref[pl.ds(base, TILE), :]
    contrib = jnp.where(mask, wrow * h, 0.0)
    hacc_ref[pl.ds(base, TILE), :] += contrib

    @pl.when(g == NSTEPS - 1)
    def _epilogue():
        t_row = lax.broadcasted_iota(jnp.int32, (1, B), 1)
        acc = otok_ref[...]
        for j in range(NTILES):
            tok_t = tok_ref[pl.ds(j * TILE, TILE), :]
            mc = (tok_t == t_row).astype(jnp.float32)
            acc = acc + _dot00(mc, hacc_ref[pl.ds(j * TILE, TILE), :])
        f = jnp.tanh(acc)
        heads = jnp.dot(f, hk_ref[...], preferred_element_type=jnp.float32)
        heads = heads + hb_ref[...]
        cols = lax.broadcasted_iota(jnp.int32, (B, NUM_TASKS * HEAD_DIM), 1)
        sel = jnp.where(cols // HEAD_DIM == tid_ref[...], heads, 0.0)
        fold = (lax.broadcasted_iota(jnp.int32, (NUM_TASKS * HEAD_DIM, HEAD_DIM), 0) % HEAD_DIM
                == lax.broadcasted_iota(jnp.int32, (NUM_TASKS * HEAD_DIM, HEAD_DIM), 1)
                ).astype(jnp.float32)
        out_ref[...] = jnp.dot(sel, fold, preferred_element_type=jnp.float32)


@jax.jit
def kernel(x, gating_kernel, routed_kernel_0, routed_bias_0,
           shared_kernel_0, shared_bias_0, head_kernel, head_bias):
    feats = x[:, :IN_DIM]
    task = x[:, IN_DIM:]
    hk2 = head_kernel.transpose(1, 0, 2).reshape(WIDTH, NUM_TASKS * HEAD_DIM)
    hb2 = head_bias.reshape(1, NUM_TASKS * HEAD_DIM)

    offs2d, eid2d, tl2d, tok_s, w_s, tid = pl.pallas_call(
        _route_body,
        grid=(1,),
        in_specs=[
            pl.BlockSpec((B, NUM_TASKS), lambda i: (0, 0)),
            pl.BlockSpec((NUM_TASKS, NUM_EXPERTS), lambda i: (0, 0)),
        ],
        out_specs=[
            pl.BlockSpec((1, 2 * NUM_EXPERTS), lambda i: (0, 0)),
            pl.BlockSpec((1, NSTEPS + 48), lambda i: (0, 0)),
            pl.BlockSpec((1, NSTEPS + 48), lambda i: (0, 0)),
            pl.BlockSpec((P, 1), lambda i: (0, 0)),
            pl.BlockSpec((P, 1), lambda i: (0, 0)),
            pl.BlockSpec((B, 1), lambda i: (0, 0)),
        ],
        out_shape=[
            jax.ShapeDtypeStruct((1, 2 * NUM_EXPERTS), jnp.int32),
            jax.ShapeDtypeStruct((1, NSTEPS + 48), jnp.int32),
            jax.ShapeDtypeStruct((1, NSTEPS + 48), jnp.int32),
            jax.ShapeDtypeStruct((P, 1), jnp.int32),
            jax.ShapeDtypeStruct((P, 1), jnp.float32),
            jax.ShapeDtypeStruct((B, 1), jnp.int32),
        ],
    )(task, gating_kernel)
    offs = offs2d.reshape(2 * NUM_EXPERTS)
    eid = eid2d.reshape(NSTEPS + 48)
    tl = tl2d.reshape(NSTEPS + 48)

    xs = _sc_gather(feats, tok_s.reshape(P))

    full = lambda s: pl.BlockSpec(s, lambda g, o, e, t: (0,) * len(s))
    grid_spec = pltpu.PrefetchScalarGridSpec(
        num_scalar_prefetch=3,
        grid=(NSTEPS,),
        in_specs=[
            full((B, IN_DIM)),
            full((P, IN_DIM)),
            full((NUM_EXPERTS, IN_DIM, WIDTH)),
            full((NUM_EXPERTS, WIDTH)),
            full((NUM_SHARED, IN_DIM, WIDTH)),
            full((NUM_SHARED, WIDTH)),
            full((WIDTH, NUM_TASKS * HEAD_DIM)),
            full((1, NUM_TASKS * HEAD_DIM)),
            full((P, 1)),
            full((P, 1)),
            full((B, 1)),
        ],
        out_specs=full((B, HEAD_DIM)),
        scratch_shapes=[
            pltpu.VMEM((P, WIDTH), jnp.float32),
            pltpu.VMEM((B, WIDTH), jnp.float32),
        ],
    )
    return pl.pallas_call(
        _moe_body,
        grid_spec=grid_spec,
        out_shape=jax.ShapeDtypeStruct((B, HEAD_DIM), jnp.float32),
        compiler_params=pltpu.CompilerParams(
            dimension_semantics=("arbitrary",)),
    )(offs, eid, tl, feats, xs, routed_kernel_0, routed_bias_0,
      shared_kernel_0, shared_bias_0, hk2, hb2, tok_s, w_s, tid)

# --- scband reference (transcript-rebuilt; emitter-appended) ---
"""Pipeline reference for scband-sparse-mo-enetwork-59012850647400 (READ-ONLY COPY).

The authoritative reference and input builder live on the scoring server;
editing this copy changes nothing except your own understanding.
"""

import jax, jax.numpy as jnp
import numpy as np

B = 1024
IN_DIM = 768
NUM_TASKS = 8
NUM_EXPERTS = 64
K_ACTIVE = 2
NUM_SHARED = 2
WIDTH = 128
HEAD_DIM = 32


def setup_inputs(seed: int = 0) -> dict:
    key = jax.random.key(seed)
    ks = jax.random.split(key, 8)
    x = jax.random.normal(ks[0], (B, IN_DIM + NUM_TASKS), dtype=jnp.float32)
    gating_kernel = jax.random.normal(ks[1], (NUM_TASKS, NUM_EXPERTS), dtype=jnp.float32) * (2.0 / NUM_TASKS) ** 0.5
    routed_kernel_0 = jax.random.normal(ks[2], (NUM_EXPERTS, IN_DIM, WIDTH), dtype=jnp.float32) * (2.0 / IN_DIM) ** 0.5
    routed_bias_0 = jnp.zeros((NUM_EXPERTS, WIDTH), dtype=jnp.float32)
    shared_kernel_0 = jax.random.normal(ks[3], (NUM_SHARED, IN_DIM, WIDTH), dtype=jnp.float32) * (2.0 / IN_DIM) ** 0.5
    shared_bias_0 = jnp.zeros((NUM_SHARED, WIDTH), dtype=jnp.float32)
    head_kernel = jax.random.normal(ks[4], (NUM_TASKS, WIDTH, HEAD_DIM), dtype=jnp.float32) * (2.0 / WIDTH) ** 0.5
    head_bias = jnp.zeros((NUM_TASKS, HEAD_DIM), dtype=jnp.float32)
    return {
        'x': x,
        'gating_kernel': gating_kernel,
        'routed_kernel_0': routed_kernel_0,
        'routed_bias_0': routed_bias_0,
        'shared_kernel_0': shared_kernel_0,
        'shared_bias_0': shared_bias_0,
        'head_kernel': head_kernel,
        'head_bias': head_bias,
    }


def reference(x, gating_kernel, routed_kernel_0, routed_bias_0,
              shared_kernel_0, shared_bias_0, head_kernel, head_bias):
    batch_dim = x.shape[0]
    task_idx = x[:, -NUM_TASKS:]
    feats = x[:, :-NUM_TASKS]
    # gating Dense (no bias) on task one-hot block
    gating_logits = task_idx @ gating_kernel  # (B, E)
    topk_idx = jnp.argsort(-gating_logits, axis=-1)[:, :K_ACTIVE]  # (B, K)
    topk_logits = jnp.take_along_axis(gating_logits, topk_idx, axis=-1)
    topk_weights = jax.nn.softmax(topk_logits, axis=-1)  # (B, K)
    # routed experts: one hidden layer (depth=2 -> num_hidden_layers=1)
    h = jnp.tile(feats[:, None, :], (1, K_ACTIVE, 1))  # (B, K, IN)
    selected_kernels = routed_kernel_0[topk_idx]  # (B, K, IN, W) gather
    h = jnp.einsum('bki,bkij->bkj', h, selected_kernels)
    h = h + routed_bias_0[topk_idx]
    h = jax.nn.relu(h)
    routed_weighted = jnp.einsum('bkw,bk->bw', h, topk_weights)  # (B, W)
    # shared experts
    h_shared = jnp.tile(feats[:, None, :], (1, NUM_SHARED, 1))  # (B, S, IN)
    h_shared = jnp.einsum('bsi,sij->bsj', h_shared, shared_kernel_0)
    h_shared = h_shared + shared_bias_0[None, :, :]
    h_shared = jax.nn.relu(h_shared)
    shared_weighted = h_shared.mean(axis=1)  # (B, W)
    features_out = jax.nn.tanh(routed_weighted + shared_weighted)  # (B, W)
    # per-task heads (vmapped Dense), then select by task id
    heads_out = jnp.einsum('bi,tij->btj', features_out, head_kernel) + head_bias[None, :, :]  # (B, T, HD)
    task_indices = task_idx.argmax(axis=-1)  # (B,)
    out = heads_out[jnp.arange(batch_dim), task_indices]  # (B, HD)
    return out


if False:  # reference __main__ guard neutralized (emitter)
    inp = setup_inputs()
    out = reference(**inp)
    print(out.shape, out.dtype)

if __name__ == "__main__":
    import jax
    _d = setup_inputs()
    print(jax.jit(kernel)(*tuple(_d.values())))

</pallas_src>

<mosaic_0001>
#map = affine_map<(d0, d1) -> (0, 0)>
#map1 = affine_map<(d0, d1) -> (0)>
module attributes {stable_mosaic.version = 14 : i64} {
  func.func @_sc_gather_body(%arg0: i32, %arg1: i32, %arg2: memref<1024x768xf32, #tpu.memory_space<hbm>>, %arg3: memref<2048xi32, #tpu.memory_space<hbm>>, %arg4: memref<2048x768xf32, #tpu.memory_space<hbm>>, %arg5: memref<64xi32, #tpu.memory_space<vmem>>, %arg6: memref<64x768xf32, #tpu.memory_space<vmem>>, %arg7: memref<!tpu.dma_semaphore, #tpu.memory_space<semaphore_mem>>) attributes {dimension_semantics = [#tpu.dimension_semantics<core_parallel>, #tpu.dimension_semantics<subcore_parallel>], iteration_bounds = array<i64: 2, 16>, scalar_prefetch = 0 : i64, scratch_operands = 3 : i64, tpu.core_type = #tpu.core_type<sc_vector_subcore>, window_params = [{transform_indices = #map}, {transform_indices = #map1}, {transform_indices = #map}]} {
    %mul3A = arith.constant 2 : i32
    %mul3A_0 = arith.muli %arg1, %mul3A : i32
    %add3A = arith.addi %mul3A_0, %arg0 : i32
    %mul3A_1 = arith.constant 64 : i32
    %mul3A_2 = arith.muli %add3A, %mul3A_1 : i32
    "tpu.region"() ({
      %run_scoped3A = tpu.sem_alloc : memref<!tpu.dma_semaphore, #tpu.memory_space<semaphore_mem>>
      %dma_start3A_7 = tpu.memref_slice %arg3[%mul3A_2] : memref<2048xi32, #tpu.memory_space<hbm>> -> memref<64xi32, #tpu.memory_space<hbm>>
      %dma_start3A_8 = tpu.memref_slice %arg3[%mul3A_2] : memref<2048xi32, #tpu.memory_space<hbm>> -> memref<64xi32, #tpu.memory_space<hbm>>
      tpu.enqueue_dma source(%dma_start3A_8 : memref<64xi32, #tpu.memory_space<hbm>>) target(%arg5 : memref<64xi32, #tpu.memory_space<vmem>>) target_semaphore(%run_scoped3A : memref<!tpu.dma_semaphore, #tpu.memory_space<semaphore_mem>>)
      %dma_wait3A_9 = tpu.memref_slice %arg3[%mul3A_2] : memref<2048xi32, #tpu.memory_space<hbm>> -> memref<64xi32, #tpu.memory_space<hbm>>
      %dma_wait3A_10 = tpu.memref_slice %arg3[%mul3A_2] : memref<2048xi32, #tpu.memory_space<hbm>> -> memref<64xi32, #tpu.memory_space<hbm>>
      tpu.wait_dma2 semaphore(%run_scoped3A : memref<!tpu.dma_semaphore, #tpu.memory_space<semaphore_mem>>) src(%dma_wait3A_10 : memref<64xi32, #tpu.memory_space<hbm>>) dst(%arg5 : memref<64xi32, #tpu.memory_space<vmem>>)
      tpu.yield
    }) : () -> ()
    %dma_start3A = arith.constant 0 : i32
    %dma_start3A_3 = arith.constant 0 : i32
    %dma_start3A_4 = tpu.memref_slice %arg2[%dma_start3A, %dma_start3A_3] : memref<1024x768xf32, #tpu.memory_space<hbm>> -> memref<1024x768xf32, #tpu.memory_space<hbm>>
    tpu.enqueue_indirect_dma source(%dma_start3A_4 : memref<1024x768xf32, #tpu.memory_space<hbm>>) target(%arg6 : memref<64x768xf32, #tpu.memory_space<vmem>>) offsets(%arg5 : memref<64xi32, #tpu.memory_space<vmem>>) semaphore(%arg7 : memref<!tpu.dma_semaphore, #tpu.memory_space<semaphore_mem>>)
    %dma_wait3A = arith.constant 0 : i32
    %dma_wait3A_5 = arith.constant 0 : i32
    %dma_wait3A_6 = tpu.memref_slice %arg2[%dma_wait3A, %dma_wait3A_5] : memref<1024x768xf32, #tpu.memory_space<hbm>> -> memref<1024x768xf32, #tpu.memory_space<hbm>>
    tpu.wait_indirect_dma semaphore(%arg7 : memref<!tpu.dma_semaphore, #tpu.memory_space<semaphore_mem>>) src(%dma_wait3A_6 : memref<1024x768xf32, #tpu.memory_space<hbm>>) dst(%arg6 : memref<64x768xf32, #tpu.memory_space<vmem>>)
    "tpu.region"() ({
      %run_scoped3A = tpu.sem_alloc : memref<!tpu.dma_semaphore, #tpu.memory_space<semaphore_mem>>
      %dma_start3A_7 = arith.constant 0 : i32
      %dma_start3A_8 = tpu.memref_slice %arg4[%mul3A_2, %dma_start3A_7] : memref<2048x768xf32, #tpu.memory_space<hbm>> -> memref<64x768xf32, #tpu.memory_space<hbm>>
      %dma_start3A_9 = arith.constant 0 : i32
      %dma_start3A_10 = tpu.memref_slice %arg4[%mul3A_2, %dma_start3A_9] : memref<2048x768xf32, #tpu.memory_space<hbm>> -> memref<64x768xf32, #tpu.memory_space<hbm>>
      tpu.enqueue_dma source(%arg6 : memref<64x768xf32, #tpu.memory_space<vmem>>) target(%dma_start3A_10 : memref<64x768xf32, #tpu.memory_space<hbm>>) target_semaphore(%run_scoped3A : memref<!tpu.dma_semaphore, #tpu.memory_space<semaphore_mem>>)
      %dma_wait3A_11 = arith.constant 0 : i32
      %dma_wait3A_12 = tpu.memref_slice %arg4[%mul3A_2, %dma_wait3A_11] : memref<2048x768xf32, #tpu.memory_space<hbm>> -> memref<64x768xf32, #tpu.memory_space<hbm>>
      %dma_wait3A_13 = arith.constant 0 : i32
      %dma_wait3A_14 = tpu.memref_slice %arg4[%mul3A_2, %dma_wait3A_13] : memref<2048x768xf32, #tpu.memory_space<hbm>> -> memref<64x768xf32, #tpu.memory_space<hbm>>
      tpu.wait_dma2 semaphore(%run_scoped3A : memref<!tpu.dma_semaphore, #tpu.memory_space<semaphore_mem>>) src(%arg6 : memref<64x768xf32, #tpu.memory_space<vmem>>) dst(%dma_wait3A_14 : memref<64x768xf32, #tpu.memory_space<hbm>>)
      tpu.yield
    }) : () -> ()
    return
  }
}

module attributes {stable_mosaic.version = 14 : i64} {
  func.func @_route_body(%arg0: i32, %arg1: memref<1024x8xf32, #tpu.memory_space<vmem>>, %arg2: memref<8x64xf32, #tpu.memory_space<vmem>>, %arg3: memref<1x128xi32, #tpu.memory_space<vmem>>, %arg4: memref<1x128xi32, #tpu.memory_space<vmem>>, %arg5: memref<1x128xi32, #tpu.memory_space<vmem>>, %arg6: memref<2048x1xi32, #tpu.memory_space<vmem>>, %arg7: memref<2048x1xf32, #tpu.memory_space<vmem>>, %arg8: memref<1024x1xi32, #tpu.memory_space<vmem>>) attributes {dimension_semantics = [#tpu.dimension_semantics<arbitrary>], iteration_bounds = array<i64: 1>, scalar_prefetch = 0 : i64, scratch_operands = 0 : i64, tpu.core_type = #tpu.core_type<tc>, window_params = [{pipeline_mode = #tpu.pipeline_mode<synchronous>, transform_indices = @transform_0, window_bounds = array<i64: 1024, 8>}, {pipeline_mode = #tpu.pipeline_mode<synchronous>, transform_indices = @transform_1, window_bounds = array<i64: 8, 64>}, {pipeline_mode = #tpu.pipeline_mode<synchronous>, transform_indices = @transform_2, window_bounds = array<i64: 1, 128>}, {pipeline_mode = #tpu.pipeline_mode<synchronous>, transform_indices = @transform_3, window_bounds = array<i64: 1, 128>}, {pipeline_mode = #tpu.pipeline_mode<synchronous>, transform_indices = @transform_4, window_bounds = array<i64: 1, 128>}, {pipeline_mode = #tpu.pipeline_mode<synchronous>, transform_indices = @transform_5, window_bounds = array<i64: 2048, 1>}, {pipeline_mode = #tpu.pipeline_mode<synchronous>, transform_indices = @transform_6, window_bounds = array<i64: 2048, 1>}, {pipeline_mode = #tpu.pipeline_mode<synchronous>, transform_indices = @transform_7, window_bounds = array<i64: 1024, 1>}]} {
    %get3A = arith.constant 0 : index
    %get3A_0 = arith.constant 0 : index
    %get3A_1 = vector.load %arg1[%get3A, %get3A_0] : memref<1024x8xf32, #tpu.memory_space<vmem>>, vector<1024x8xf32>
    %get3A_2 = arith.constant 0 : index
    %get3A_3 = arith.constant 0 : index
    %get3A_4 = vector.load %arg2[%get3A_2, %get3A_3] : memref<8x64xf32, #tpu.memory_space<vmem>>, vector<8x64xf32>
    %dot_general3A = arith.constant dense<0.000000e+00> : vector<1024x64xf32>
    %dot_general3A_5 = tpu.matmul %get3A_1, %get3A_4, %dot_general3A {dimension_numbers = #tpu.dot_dimension_numbers<[1], [0], [0], [1], [0, 0, 1, 1], [], []>, transpose_lhs_hint = false} : vector<1024x8xf32>, vector<8x64xf32>, vector<1024x64xf32> -> vector<1024x64xf32>
    %iota3A = tpu.iota {dimensions = array<i32: 1>} : vector<1024x64xi32>
    %reduce_max3A = arith.constant dense<0xFF800000> : vector<1024xf32>
    %reduce_max3A_6 = vector.multi_reduction <maximumf>, %dot_general3A_5, %reduce_max3A [1] : vector<1024x64xf32> to vector<1024xf32>
    %broadcast_in_dim3A = vector.shape_cast %reduce_max3A_6 : vector<1024xf32> to vector<1024x1xf32>
    %eq3A = vector.broadcast %broadcast_in_dim3A : vector<1024x1xf32> to vector<1024x64xf32>
    %eq3A_7 = arith.cmpf oeq, %dot_general3A_5, %eq3A : vector<1024x64xf32>
    %jit3A = arith.constant 64 : i32
    %broadcast_in_dim3A_8 = vector.broadcast %jit3A : i32 to vector<1024x64xi32>
    %select_n3A = arith.select %eq3A_7, %iota3A, %broadcast_in_dim3A_8 : vector<1024x64xi1>, vector<1024x64xi32>
    %reduce_min3A = arith.constant dense<2147483647> : vector<1024xi32>
    %reduce_min3A_9 = vector.multi_reduction <minsi>, %select_n3A, %reduce_min3A [1] : vector<1024x64xi32> to vector<1024xi32>
    %broadcast_in_dim3A_10 = vector.shape_cast %reduce_min3A_9 : vector<1024xi32> to vector<1024x1xi32>
    %eq3A_11 = vector.broadcast %broadcast_in_dim3A_10 : vector<1024x1xi32> to vector<1024x64xi32>
    %eq3A_12 = arith.cmpi eq, %iota3A, %eq3A_11 : vector<1024x64xi32>
    %jit3A_13 = arith.constant 0xFF800000 : f32
    %broadcast_in_dim3A_14 = vector.broadcast %jit3A_13 : f32 to vector<1024x64xf32>
    %select_n3A_15 = arith.select %eq3A_12, %broadcast_in_dim3A_14, %dot_general3A_5 : vector<1024x64xi1>, vector<1024x64xf32>
    %reduce_max3A_16 = arith.constant dense<0xFF800000> : vector<1024xf32>
    %reduce_max3A_17 = vector.multi_reduction <maximumf>, %select_n3A_15, %reduce_max3A_16 [1] : vector<1024x64xf32> to vector<1024xf32>
    %broadcast_in_dim3A_18 = vector.shape_cast %reduce_max3A_17 : vector<1024xf32> to vector<1024x1xf32>
    %eq3A_19 = vector.broadcast %broadcast_in_dim3A_18 : vector<1024x1xf32> to vector<1024x64xf32>
    %eq3A_20 = arith.cmpf oeq, %select_n3A_15, %eq3A_19 : vector<1024x64xf32>
    %jit3A_21 = arith.constant 64 : i32
    %broadcast_in_dim3A_22 = vector.broadcast %jit3A_21 : i32 to vector<1024x64xi32>
    %select_n3A_23 = arith.select %eq3A_20, %iota3A, %broadcast_in_dim3A_22 : vector<1024x64xi1>, vector<1024x64xi32>
    %reduce_min3A_24 = arith.constant dense<2147483647> : vector<1024xi32>
    %reduce_min3A_25 = vector.multi_reduction <minsi>, %select_n3A_23, %reduce_min3A_24 [1] : vector<1024x64xi32> to vector<1024xi32>
    %broadcast_in_dim3A_26 = vector.shape_cast %reduce_min3A_25 : vector<1024xi32> to vector<1024x1xi32>
    %sub3A = arith.subf %broadcast_in_dim3A_18, %broadcast_in_dim3A : vector<1024x1xf32>
    %exp3A = math.exp %sub3A : vector<1024x1xf32>
    %add3A = arith.constant 1.000000e+00 : f32
    %add3A_27 = vector.broadcast %add3A : f32 to vector<1024x1xf32>
    %add3A_28 = arith.addf %add3A_27, %exp3A : vector<1024x1xf32>
    %div3A = arith.constant 1.000000e+00 : f32
    %div3A_29 = vector.broadcast %div3A : f32 to vector<1024x1xf32>
    %div3A_30 = arith.divf %div3A_29, %add3A_28 : vector<1024x1xf32>
    %iota3A_31 = tpu.iota {dimensions = array<i32: 1>} : vector<1024x8xi32>
    %reduce_max3A_32 = arith.constant dense<0xFF800000> : vector<1024xf32>
    %reduce_max3A_33 = vector.multi_reduction <maximumf>, %get3A_1, %reduce_max3A_32 [1] : vector<1024x8xf32> to vector<1024xf32>
    %broadcast_in_dim3A_34 = vector.shape_cast %reduce_max3A_33 : vector<1024xf32> to vector<1024x1xf32>
    %eq3A_35 = vector.broadcast %broadcast_in_dim3A_34 : vector<1024x1xf32> to vector<1024x8xf32>
    %eq3A_36 = arith.cmpf oeq, %get3A_1, %eq3A_35 : vector<1024x8xf32>
    %jit3A_37 = arith.constant 8 : i32
    %broadcast_in_dim3A_38 = vector.broadcast %jit3A_37 : i32 to vector<1024x8xi32>
    %select_n3A_39 = arith.select %eq3A_36, %iota3A_31, %broadcast_in_dim3A_38 : vector<1024x8xi1>, vector<1024x8xi32>
    %reduce_min3A_40 = arith.constant dense<2147483647> : vector<1024xi32>
    %reduce_min3A_41 = vector.multi_reduction <minsi>, %select_n3A_39, %reduce_min3A_40 [1] : vector<1024x8xi32> to vector<1024xi32>
    %broadcast_in_dim3A_42 = vector.shape_cast %reduce_min3A_41 : vector<1024xi32> to vector<1024x1xi32>
    %swap3A = arith.constant 0 : index
    %swap3A_43 = arith.constant 0 : index
    %swap3A_44 = vector.load %arg8[%swap3A, %swap3A_43] : memref<1024x1xi32, #tpu.memory_space<vmem>>, vector<1024x1xi32>
    tpu.vector_store %arg8[%swap3A, %swap3A_43], %broadcast_in_dim3A_42 {strides = array<i32>} : memref<1024x1xi32, #tpu.memory_space<vmem>>, vector<1024x1xi32>,
    %eq3A_45 = vector.broadcast %broadcast_in_dim3A_10 : vector<1024x1xi32> to vector<1024x64xi32>
    %eq3A_46 = arith.cmpi eq, %iota3A, %eq3A_45 : vector<1024x64xi32>
    %convert_element_type3A = arith.extui %eq3A_46 : vector<1024x64xi1> to vector<1024x64xi32>
    %convert_element_type3A_47 = arith.sitofp %convert_element_type3A : vector<1024x64xi32> to vector<1024x64xf32>
    %eq3A_48 = vector.broadcast %broadcast_in_dim3A_26 : vector<1024x1xi32> to vector<1024x64xi32>
    %eq3A_49 = arith.cmpi eq, %iota3A, %eq3A_48 : vector<1024x64xi32>
    %convert_element_type3A_50 = arith.extui %eq3A_49 : vector<1024x64xi1> to vector<1024x64xi32>
    %convert_element_type3A_51 = arith.sitofp %convert_element_type3A_50 : vector<1024x64xi32> to vector<1024x64xf32>
    %reduce_sum3A = arith.constant dense<0.000000e+00> : vector<64xf32>
    %reduce_sum3A_52 = vector.multi_reduction <add>, %convert_element_type3A_47, %reduce_sum3A [0] : vector<1024x64xf32> to vector<64xf32>
    %broadcast_in_dim3A_53 = vector.shape_cast %reduce_sum3A_52 : vector<64xf32> to vector<1x64xf32>
    %reduce_sum3A_54 = arith.constant dense<0.000000e+00> : vector<64xf32>
    %reduce_sum3A_55 = vector.multi_reduction <add>, %convert_element_type3A_51, %reduce_sum3A_54 [0] : vector<1024x64xf32> to vector<64xf32>
    %broadcast_in_dim3A_56 = vector.shape_cast %reduce_sum3A_55 : vector<64xf32> to vector<1x64xf32>
    %add3A_57 = arith.addf %broadcast_in_dim3A_53, %broadcast_in_dim3A_56 : vector<1x64xf32>
    %iota3A_58 = tpu.iota {dimensions = array<i32: 0>} : vector<1024x1024xi32>
    %iota3A_59 = tpu.iota {dimensions = array<i32: 1>} : vector<1024x1024xi32>
    %lt3A = arith.cmpi slt, %iota3A_59, %iota3A_58 : vector<1024x1024xi32>
    %convert_element_type3A_60 = arith.extui %lt3A : vector<1024x1024xi1> to vector<1024x1024xi32>
    %convert_element_type3A_61 = arith.sitofp %convert_element_type3A_60 : vector<1024x1024xi32> to vector<1024x1024xf32>
    %dot_general3A_62 = arith.constant dense<0.000000e+00> : vector<1024x64xf32>
    %dot_general3A_63 = tpu.matmul %convert_element_type3A_61, %convert_element_type3A_47, %dot_general3A_62 {dimension_numbers = #tpu.dot_dimension_numbers<[1], [0], [0], [1], [0, 0, 1, 1], [], []>, transpose_lhs_hint = false} : vector<1024x1024xf32>, vector<1024x64xf32>, vector<1024x64xf32> -> vector<1024x64xf32>
    %dot_general3A_64 = arith.constant dense<0.000000e+00> : vector<1024x64xf32>
    %dot_general3A_65 = tpu.matmul %convert_element_type3A_61, %convert_element_type3A_51, %dot_general3A_64 {dimension_numbers = #tpu.dot_dimension_numbers<[1], [0], [0], [1], [0, 0, 1, 1], [], []>, transpose_lhs_hint = false} : vector<1024x1024xf32>, vector<1024x64xf32>, vector<1024x64xf32> -> vector<1024x64xf32>
    %iota3A_66 = tpu.iota {dimensions = array<i32: 0>} : vector<64x64xi32>
    %iota3A_67 = tpu.iota {dimensions = array<i32: 1>} : vector<64x64xi32>
    %lt3A_68 = arith.cmpi slt, %iota3A_66, %iota3A_67 : vector<64x64xi32>
    %convert_element_type3A_69 = arith.extui %lt3A_68 : vector<64x64xi1> to vector<64x64xi32>
    %convert_element_type3A_70 = arith.sitofp %convert_element_type3A_69 : vector<64x64xi32> to vector<64x64xf32>
    %add3A_71 = arith.addf %convert_element_type3A_47, %convert_element_type3A_51 : vector<1024x64xf32>
    %dot_general3A_72 = arith.constant dense<0.000000e+00> : vector<1024x64xf32>
    %dot_general3A_73 = tpu.matmul %add3A_71, %convert_element_type3A_70, %dot_general3A_72 {dimension_numbers = #tpu.dot_dimension_numbers<[1], [0], [0], [1], [0, 0, 1, 1], [], []>, transpose_lhs_hint = false} : vector<1024x64xf32>, vector<64x64xf32>, vector<1024x64xf32> -> vector<1024x64xf32>
    %reduce_sum3A_74 = arith.constant dense<0.000000e+00> : vector<64xf32>
    %reduce_sum3A_75 = vector.multi_reduction <add>, %dot_general3A_73, %reduce_sum3A_74 [0] : vector<1024x64xf32> to vector<64xf32>
    %broadcast_in_dim3A_76 = vector.shape_cast %reduce_sum3A_75 : vector<64xf32> to vector<1x64xf32>
    %add3A_77 = vector.broadcast %broadcast_in_dim3A_76 : vector<1x64xf32> to vector<1024x64xf32>
    %add3A_78 = arith.addf %add3A_77, %dot_general3A_63 : vector<1024x64xf32>
    %mul3A = arith.mulf %convert_element_type3A_47, %add3A_78 : vector<1024x64xf32>
    %reduce_sum3A_79 = arith.constant dense<0.000000e+00> : vector<1024xf32>
    %reduce_sum3A_80 = vector.multi_reduction <add>, %mul3A, %reduce_sum3A_79 [1] : vector<1024x64xf32> to vector<1024xf32>
    %broadcast_in_dim3A_81 = vector.shape_cast %reduce_sum3A_80 : vector<1024xf32> to vector<1024x1xf32>
    %add3A_82 = arith.addf %broadcast_in_dim3A_76, %broadcast_in_dim3A_53 : vector<1x64xf32>
    %add3A_83 = vector.broadcast %add3A_82 : vector<1x64xf32> to vector<1024x64xf32>
    %add3A_84 = arith.addf %add3A_83, %dot_general3A_65 : vector<1024x64xf32>
    %mul3A_85 = arith.mulf %convert_element_type3A_51, %add3A_84 : vector<1024x64xf32>
    %reduce_sum3A_86 = arith.constant dense<0.000000e+00> : vector<1024xf32>
    %reduce_sum3A_87 = vector.multi_reduction <add>, %mul3A_85, %reduce_sum3A_86 [1] : vector<1024x64xf32> to vector<1024xf32>
    %broadcast_in_dim3A_88 = vector.shape_cast %reduce_sum3A_87 : vector<1024xf32> to vector<1024x1xf32>
    %add3A_89 = arith.addf %broadcast_in_dim3A_76, %add3A_57 : vector<1x64xf32>
    %mul3A_90 = arith.constant 7.812500e-03 : f32
    %mul3A_91 = vector.broadcast %mul3A_90 : f32 to vector<1x64xf32>
    %mul3A_92 = arith.mulf %broadcast_in_dim3A_76, %mul3A_91 : vector<1x64xf32>
    %floor3A = math.floor %mul3A_92 : vector<1x64xf32>
    %sub3A_93 = arith.constant 1.000000e+00 : f32
    %sub3A_94 = vector.broadcast %sub3A_93 : f32 to vector<1x64xf32>
    %sub3A_95 = arith.subf %add3A_89, %sub3A_94 : vector<1x64xf32>
    %mul3A_96 = arith.constant 7.812500e-03 : f32
    %mul3A_97 = vector.broadcast %mul3A_96 : f32 to vector<1x64xf32>
    %mul3A_98 = arith.mulf %sub3A_95, %mul3A_97 : vector<1x64xf32>
    %floor3A_99 = math.floor %mul3A_98 : vector<1x64xf32>
    %gt3A = arith.constant 0.000000e+00 : f32
    %gt3A_100 = vector.broadcast %gt3A : f32 to vector<1x64xf32>
    %gt3A_101 = arith.cmpf ogt, %add3A_57, %gt3A_100 : vector<1x64xf32>
    %sub3A_102 = arith.subf %floor3A_99, %floor3A : vector<1x64xf32>
    %add3A_103 = arith.constant 1.000000e+00 : f32
    %add3A_104 = vector.broadcast %add3A_103 : f32 to vector<1x64xf32>
    %add3A_105 = arith.addf %sub3A_102, %add3A_104 : vector<1x64xf32>
    %jit3A_106 = arith.constant 0.000000e+00 : f32
    %broadcast_in_dim3A_107 = vector.broadcast %jit3A_106 : f32 to vector<1x64xf32>
    %select_n3A_108 = arith.select %gt3A_101, %add3A_105, %broadcast_in_dim3A_107 : vector<1x64xi1>, vector<1x64xf32>
    %dot_general3A_109 = arith.constant dense<0.000000e+00> : vector<1x64xf32>
    %dot_general3A_110 = tpu.matmul %select_n3A_108, %convert_element_type3A_70, %dot_general3A_109 {dimension_numbers = #tpu.dot_dimension_numbers<[1], [0], [0], [1], [0, 0, 1, 1], [], []>, transpose_lhs_hint = false} : vector<1x64xf32>, vector<64x64xf32>, vector<1x64xf32> -> vector<1x64xf32>
    %broadcast_in_dim3A_111 = arith.constant 1.000000e+00 : f32
    %broadcast_in_dim3A_112 = vector.broadcast %broadcast_in_dim3A_111 : f32 to vector<1x1xf32>
    %dot_general3A_113 = arith.constant dense<0.000000e+00> : vector<64x1xf32>
    %dot_general3A_114 = tpu.matmul %dot_general3A_110, %broadcast_in_dim3A_112, %dot_general3A_113 {dimension_numbers = #tpu.dot_dimension_numbers<[0], [0], [1], [1], [0, 1, 1, 1], [], []>, transpose_lhs_hint = false} : vector<1x64xf32>, vector<1x1xf32>, vector<64x1xf32> -> vector<64x1xf32>
    %dot_general3A_115 = arith.constant dense<0.000000e+00> : vector<64x1xf32>
    %dot_general3A_116 = tpu.matmul %select_n3A_108, %broadcast_in_dim3A_112, %dot_general3A_115 {dimension_numbers = #tpu.dot_dimension_numbers<[0], [0], [1], [1], [0, 1, 1, 1], [], []>, transpose_lhs_hint = false} : vector<1x64xf32>, vector<1x1xf32>, vector<64x1xf32> -> vector<64x1xf32>
    %dot_general3A_117 = arith.constant dense<0.000000e+00> : vector<64x1xf32>
    %dot_general3A_118 = tpu.matmul %floor3A, %broadcast_in_dim3A_112, %dot_general3A_117 {dimension_numbers = #tpu.dot_dimension_numbers<[0], [0], [1], [1], [0, 1, 1, 1], [], []>, transpose_lhs_hint = false} : vector<1x64xf32>, vector<1x1xf32>, vector<64x1xf32> -> vector<64x1xf32>
    %iota3A_119 = tpu.iota {dimensions = array<i32: 0>} : vector<64x1xi32>
    %convert_element_type3A_120 = arith.sitofp %iota3A_119 : vector<64x1xi32> to vector<64x1xf32>
    %iota3A_121 = tpu.iota {dimensions = array<i32: 1>} : vector<1x128xi32>
    %lt3A_122 = arith.constant 80 : i32
    %lt3A_123 = vector.broadcast %lt3A_122 : i32 to vector<1x128xi32>
    %lt3A_124 = arith.cmpi slt, %iota3A_121, %lt3A_123 : vector<1x128xi32>
    %jit3A_125 = arith.constant 20 : i32
    %eq3A_126 = arith.constant 0 : i32
    %eq3A_127 = arith.cmpi eq, %jit3A_125, %eq3A_126 : i32
    %jit3A_128 = arith.constant 1 : i32
    %select_n3A_129 = arith.select %eq3A_127, %jit3A_128, %jit3A_125 : i32
    %rem3A = vector.broadcast %select_n3A_129 : i32 to vector<1x128xi32>
    %rem3A_130 = arith.remsi %iota3A_121, %rem3A : vector<1x128xi32>
    %ne3A = arith.constant 0 : i32
    %ne3A_131 = vector.broadcast %ne3A : i32 to vector<1x128xi32>
    %ne3A_132 = arith.cmpi ne, %rem3A_130, %ne3A_131 : vector<1x128xi32>
    %lt3A_133 = arith.constant 0 : i32
    %lt3A_134 = vector.broadcast %lt3A_133 : i32 to vector<1x128xi32>
    %lt3A_135 = arith.cmpi slt, %rem3A_130, %lt3A_134 : vector<1x128xi32>
    %lt3A_136 = arith.constant 0 : i32
    %lt3A_137 = arith.cmpi slt, %select_n3A_129, %lt3A_136 : i32
    %ne3A_138 = vector.broadcast %lt3A_137 : i1 to vector<1x128xi1>
    %ne3A_139 = vector.broadcast %ne3A_138 : vector<1x128xi1> to vector<1x128xi1>
    %ne3A_140 = arith.xori %lt3A_135, %ne3A_139 : vector<1x128xi1>
    %and3A = arith.andi %ne3A_140, %ne3A_132 : vector<1x128xi1>
    %add3A_141 = vector.broadcast %select_n3A_129 : i32 to vector<1x128xi32>
    %add3A_142 = arith.addi %rem3A_130, %add3A_141 : vector<1x128xi32>
    %select_n3A_143 = arith.select %and3A, %add3A_142, %rem3A_130 : vector<1x128xi1>, vector<1x128xi32>
    %mul3A_144 = arith.constant 4 : i32
    %mul3A_145 = vector.broadcast %mul3A_144 : i32 to vector<1x128xi32>
    %mul3A_146 = arith.muli %select_n3A_143, %mul3A_145 : vector<1x128xi32>
    %jit3A_147 = arith.constant 20 : i32
    %div3A_148 = vector.broadcast %jit3A_147 : i32 to vector<1x128xi32>
    %div3A_149 = arith.divsi %iota3A_121, %div3A_148 : vector<1x128xi32>
    %sign3A = arith.constant 0 : i32
    %sign3A_150 = vector.broadcast %sign3A : i32 to vector<1x128xi32>
    %sign3A_151 = arith.cmpi sgt, %iota3A_121, %sign3A_150 : vector<1x128xi32>
    %sign3A_152 = arith.extui %sign3A_151 : vector<1x128xi1> to vector<1x128xi32>
    %sign3A_153 = arith.constant 0 : i32
    %sign3A_154 = vector.broadcast %sign3A_153 : i32 to vector<1x128xi32>
    %sign3A_155 = arith.cmpi slt, %iota3A_121, %sign3A_154 : vector<1x128xi32>
    %sign3A_156 = arith.extui %sign3A_155 : vector<1x128xi1> to vector<1x128xi32>
    %sign3A_157 = arith.subi %sign3A_152, %sign3A_156 : vector<1x128xi32>
    %sign3A_158 = arith.constant 0 : i32
    %sign3A_159 = arith.cmpi sgt, %jit3A_147, %sign3A_158 : i32
    %sign3A_160 = arith.extui %sign3A_159 : i1 to i32
    %sign3A_161 = arith.constant 0 : i32
    %sign3A_162 = arith.cmpi slt, %jit3A_147, %sign3A_161 : i32
    %sign3A_163 = arith.extui %sign3A_162 : i1 to i32
    %sign3A_164 = arith.subi %sign3A_160, %sign3A_163 : i32
    %ne3A_165 = vector.broadcast %sign3A_164 : i32 to vector<1x128xi32>
    %ne3A_166 = arith.cmpi ne, %sign3A_157, %ne3A_165 : vector<1x128xi32>
    %rem3A_167 = vector.broadcast %jit3A_147 : i32 to vector<1x128xi32>
    %rem3A_168 = arith.remsi %iota3A_121, %rem3A_167 : vector<1x128xi32>
    %ne3A_169 = arith.constant 0 : i32
    %ne3A_170 = vector.broadcast %ne3A_169 : i32 to vector<1x128xi32>
    %ne3A_171 = arith.cmpi ne, %rem3A_168, %ne3A_170 : vector<1x128xi32>
    %and3A_172 = arith.andi %ne3A_166, %ne3A_171 : vector<1x128xi1>
    %sub3A_173 = arith.constant 1 : i32
    %sub3A_174 = vector.broadcast %sub3A_173 : i32 to vector<1x128xi32>
    %sub3A_175 = arith.subi %div3A_149, %sub3A_174 : vector<1x128xi32>
    %select_n3A_176 = arith.select %and3A_172, %sub3A_175, %div3A_149 : vector<1x128xi1>, vector<1x128xi32>
    %add3A_177 = arith.addi %mul3A_146, %select_n3A_176 : vector<1x128xi32>
    %jit3A_178 = arith.constant 127 : i32
    %broadcast_in_dim3A_179 = vector.broadcast %jit3A_178 : i32 to vector<1x128xi32>
    %select_n3A_180 = arith.select %lt3A_124, %add3A_177, %broadcast_in_dim3A_179 : vector<1x128xi1>, vector<1x128xi32>
    %convert_element_type3A_181 = arith.sitofp %select_n3A_180 : vector<1x128xi32> to vector<1x128xf32>
    %ge3A = vector.broadcast %convert_element_type3A_181 : vector<1x128xf32> to vector<64x128xf32>
    %ge3A_182 = vector.broadcast %dot_general3A_114 : vector<64x1xf32> to vector<64x128xf32>
    %ge3A_183 = arith.cmpf oge, %ge3A, %ge3A_182 : vector<64x128xf32>
    %add3A_184 = arith.addf %dot_general3A_114, %dot_general3A_116 : vector<64x1xf32>
    %lt3A_185 = vector.broadcast %convert_element_type3A_181 : vector<1x128xf32> to vector<64x128xf32>
    %lt3A_186 = vector.broadcast %add3A_184 : vector<64x1xf32> to vector<64x128xf32>
    %lt3A_187 = arith.cmpf olt, %lt3A_185, %lt3A_186 : vector<64x128xf32>
    %and3A_188 = arith.andi %ge3A_183, %lt3A_187 : vector<64x128xi1>
    %convert_element_type3A_189 = arith.extui %and3A_188 : vector<64x128xi1> to vector<64x128xi32>
    %convert_element_type3A_190 = arith.sitofp %convert_element_type3A_189 : vector<64x128xi32> to vector<64x128xf32>
    %reduce_sum3A_191 = arith.constant dense<0.000000e+00> : vector<128xf32>
    %reduce_sum3A_192 = vector.multi_reduction <add>, %convert_element_type3A_190, %reduce_sum3A_191 [0] : vector<64x128xf32> to vector<128xf32>
    %broadcast_in_dim3A_193 = vector.shape_cast %reduce_sum3A_192 : vector<128xf32> to vector<1x128xf32>
    %mul3A_194 = vector.broadcast %convert_element_type3A_120 : vector<64x1xf32> to vector<64x128xf32>
    %mul3A_195 = arith.mulf %convert_element_type3A_190, %mul3A_194 : vector<64x128xf32>
    %reduce_sum3A_196 = arith.constant dense<0.000000e+00> : vector<128xf32>
    %reduce_sum3A_197 = vector.multi_reduction <add>, %mul3A_195, %reduce_sum3A_196 [0] : vector<64x128xf32> to vector<128xf32>
    %broadcast_in_dim3A_198 = vector.shape_cast %reduce_sum3A_197 : vector<128xf32> to vector<1x128xf32>
    %sub3A_199 = arith.constant 1.000000e+00 : f32
    %sub3A_200 = vector.broadcast %sub3A_199 : f32 to vector<1x128xf32>
    %sub3A_201 = arith.subf %sub3A_200, %broadcast_in_dim3A_193 : vector<1x128xf32>
    %mul3A_202 = arith.constant 6.400000e+01 : f32
    %mul3A_203 = vector.broadcast %mul3A_202 : f32 to vector<1x128xf32>
    %mul3A_204 = arith.mulf %mul3A_203, %sub3A_201 : vector<1x128xf32>
    %add3A_205 = arith.addf %broadcast_in_dim3A_198, %mul3A_204 : vector<1x128xf32>
    %sub3A_206 = vector.broadcast %convert_element_type3A_181 : vector<1x128xf32> to vector<64x128xf32>
    %sub3A_207 = vector.broadcast %dot_general3A_114 : vector<64x1xf32> to vector<64x128xf32>
    %sub3A_208 = arith.subf %sub3A_206, %sub3A_207 : vector<64x128xf32>
    %add3A_209 = vector.broadcast %dot_general3A_118 : vector<64x1xf32> to vector<64x128xf32>
    %add3A_210 = arith.addf %sub3A_208, %add3A_209 : vector<64x128xf32>
    %mul3A_211 = arith.mulf %convert_element_type3A_190, %add3A_210 : vector<64x128xf32>
    %reduce_sum3A_212 = arith.constant dense<0.000000e+00> : vector<128xf32>
    %reduce_sum3A_213 = vector.multi_reduction <add>, %mul3A_211, %reduce_sum3A_212 [0] : vector<64x128xf32> to vector<128xf32>
    %broadcast_in_dim3A_214 = vector.shape_cast %reduce_sum3A_213 : vector<128xf32> to vector<1x128xf32>
    %sub3A_215 = arith.constant 1.000000e+00 : f32
    %sub3A_216 = vector.broadcast %sub3A_215 : f32 to vector<1x128xf32>
    %sub3A_217 = arith.subf %sub3A_216, %broadcast_in_dim3A_193 : vector<1x128xf32>
    %mul3A_218 = arith.constant 1.500000e+01 : f32
    %mul3A_219 = vector.broadcast %mul3A_218 : f32 to vector<1x128xf32>
    %mul3A_220 = arith.mulf %mul3A_219, %sub3A_217 : vector<1x128xf32>
    %add3A_221 = arith.addf %broadcast_in_dim3A_214, %mul3A_220 : vector<1x128xf32>
    %convert_element_type3A_222 = arith.fptosi %add3A_205 : vector<1x128xf32> to vector<1x128xi32>
    %swap3A_223 = arith.constant 0 : index
    %swap3A_224 = arith.constant 0 : index
    %swap3A_225 = vector.load %arg4[%swap3A_223, %swap3A_224] : memref<1x128xi32, #tpu.memory_space<vmem>>, vector<1x128xi32>
    tpu.vector_store %arg4[%swap3A_223, %swap3A_224], %convert_element_type3A_222 {strides = array<i32>} : memref<1x128xi32, #tpu.memory_space<vmem>>, vector<1x128xi32>,
    %convert_element_type3A_226 = arith.fptosi %add3A_221 : vector<1x128xf32> to vector<1x128xi32>
    %swap3A_227 = arith.constant 0 : index
    %swap3A_228 = arith.constant 0 : index
    %swap3A_229 = vector.load %arg5[%swap3A_227, %swap3A_228] : memref<1x128xi32, #tpu.memory_space<vmem>>, vector<1x128xi32>
    tpu.vector_store %arg5[%swap3A_227, %swap3A_228], %convert_element_type3A_226 {strides = array<i32>} : memref<1x128xi32, #tpu.memory_space<vmem>>, vector<1x128xi32>,
    %iota3A_230 = tpu.iota {dimensions = array<i32: 0>} : vector<1024x1xi32>
    %jit3A_231 = arith.constant 64 : i32
    %div3A_232 = vector.broadcast %jit3A_231 : i32 to vector<1024x1xi32>
    %div3A_233 = arith.divsi %iota3A_230, %div3A_232 : vector<1024x1xi32>
    %sign3A_234 = arith.constant 0 : i32
    %sign3A_235 = vector.broadcast %sign3A_234 : i32 to vector<1024x1xi32>
    %sign3A_236 = arith.cmpi sgt, %iota3A_230, %sign3A_235 : vector<1024x1xi32>
    %sign3A_237 = arith.extui %sign3A_236 : vector<1024x1xi1> to vector<1024x1xi32>
    %sign3A_238 = arith.constant 0 : i32
    %sign3A_239 = vector.broadcast %sign3A_238 : i32 to vector<1024x1xi32>
    %sign3A_240 = arith.cmpi slt, %iota3A_230, %sign3A_239 : vector<1024x1xi32>
    %sign3A_241 = arith.extui %sign3A_240 : vector<1024x1xi1> to vector<1024x1xi32>
    %sign3A_242 = arith.subi %sign3A_237, %sign3A_241 : vector<1024x1xi32>
    %sign3A_243 = arith.constant 0 : i32
    %sign3A_244 = arith.cmpi sgt, %jit3A_231, %sign3A_243 : i32
    %sign3A_245 = arith.extui %sign3A_244 : i1 to i32
    %sign3A_246 = arith.constant 0 : i32
    %sign3A_247 = arith.cmpi slt, %jit3A_231, %sign3A_246 : i32
    %sign3A_248 = arith.extui %sign3A_247 : i1 to i32
    %sign3A_249 = arith.subi %sign3A_245, %sign3A_248 : i32
    %ne3A_250 = vector.broadcast %sign3A_249 : i32 to vector<1024x1xi32>
    %ne3A_251 = arith.cmpi ne, %sign3A_242, %ne3A_250 : vector<1024x1xi32>
    %rem3A_252 = vector.broadcast %jit3A_231 : i32 to vector<1024x1xi32>
    %rem3A_253 = arith.remsi %iota3A_230, %rem3A_252 : vector<1024x1xi32>
    %ne3A_254 = arith.constant 0 : i32
    %ne3A_255 = vector.broadcast %ne3A_254 : i32 to vector<1024x1xi32>
    %ne3A_256 = arith.cmpi ne, %rem3A_253, %ne3A_255 : vector<1024x1xi32>
    %and3A_257 = arith.andi %ne3A_251, %ne3A_256 : vector<1024x1xi1>
    %sub3A_258 = arith.constant 1 : i32
    %sub3A_259 = vector.broadcast %sub3A_258 : i32 to vector<1024x1xi32>
    %sub3A_260 = arith.subi %div3A_233, %sub3A_259 : vector<1024x1xi32>
    %select_n3A_261 = arith.select %and3A_257, %sub3A_260, %div3A_233 : vector<1024x1xi1>, vector<1024x1xi32>
    %convert_element_type3A_262 = arith.sitofp %select_n3A_261 : vector<1024x1xi32> to vector<1024x1xf32>
    %jit3A_263 = arith.constant 64 : i32
    %eq3A_264 = arith.constant 0 : i32
    %eq3A_265 = arith.cmpi eq, %jit3A_263, %eq3A_264 : i32
    %jit3A_266 = arith.constant 1 : i32
    %select_n3A_267 = arith.select %eq3A_265, %jit3A_266, %jit3A_263 : i32
    %rem3A_268 = vector.broadcast %select_n3A_267 : i32 to vector<1024x1xi32>
    %rem3A_269 = arith.remsi %iota3A_230, %rem3A_268 : vector<1024x1xi32>
    %ne3A_270 = arith.constant 0 : i32
    %ne3A_271 = vector.broadcast %ne3A_270 : i32 to vector<1024x1xi32>
    %ne3A_272 = arith.cmpi ne, %rem3A_269, %ne3A_271 : vector<1024x1xi32>
    %lt3A_273 = arith.constant 0 : i32
    %lt3A_274 = vector.broadcast %lt3A_273 : i32 to vector<1024x1xi32>
    %lt3A_275 = arith.cmpi slt, %rem3A_269, %lt3A_274 : vector<1024x1xi32>
    %lt3A_276 = arith.constant 0 : i32
    %lt3A_277 = arith.cmpi slt, %select_n3A_267, %lt3A_276 : i32
    %ne3A_278 = vector.broadcast %lt3A_277 : i1 to vector<1024x1xi1>
    %ne3A_279 = vector.broadcast %ne3A_278 : vector<1024x1xi1> to vector<1024x1xi1>
    %ne3A_280 = arith.xori %lt3A_275, %ne3A_279 : vector<1024x1xi1>
    %and3A_281 = arith.andi %ne3A_280, %ne3A_272 : vector<1024x1xi1>
    %add3A_282 = vector.broadcast %select_n3A_267 : i32 to vector<1024x1xi32>
    %add3A_283 = arith.addi %rem3A_269, %add3A_282 : vector<1024x1xi32>
    %select_n3A_284 = arith.select %and3A_281, %add3A_283, %rem3A_269 : vector<1024x1xi1>, vector<1024x1xi32>
    %convert_element_type3A_285 = arith.sitofp %select_n3A_284 : vector<1024x1xi32> to vector<1024x1xf32>
    %sub3A_286 = arith.constant 1.000000e+00 : f32
    %sub3A_287 = vector.broadcast %sub3A_286 : f32 to vector<1024x1xf32>
    %sub3A_288 = arith.subf %sub3A_287, %div3A_30 : vector<1024x1xf32>
    %convert_element_type3A_289 = arith.truncf %div3A_30 : vector<1024x1xf32> to vector<1024x1xbf16>
    %convert_element_type3A_290 = arith.extf %convert_element_type3A_289 : vector<1024x1xbf16> to vector<1024x1xf32>
    %sub3A_291 = arith.subf %div3A_30, %convert_element_type3A_290 : vector<1024x1xf32>
    %concatenate3A = tpu.concatenate %convert_element_type3A_262, %convert_element_type3A_285, %convert_element_type3A_290, %sub3A_291 in 1 : vector<1024x1xf32>, vector<1024x1xf32>, vector<1024x1xf32>, vector<1024x1xf32> -> vector<1024x4xf32>
    %convert_element_type3A_292 = arith.truncf %sub3A_288 : vector<1024x1xf32> to vector<1024x1xbf16>
    %convert_element_type3A_293 = arith.extf %convert_element_type3A_292 : vector<1024x1xbf16> to vector<1024x1xf32>
    %sub3A_294 = arith.subf %sub3A_288, %convert_element_type3A_293 : vector<1024x1xf32>
    %concatenate3A_295 = tpu.concatenate %convert_element_type3A_262, %convert_element_type3A_285, %convert_element_type3A_293, %sub3A_294 in 1 : vector<1024x1xf32>, vector<1024x1xf32>, vector<1024x1xf32>, vector<1024x1xf32> -> vector<1024x4xf32>
    %iota3A_296 = tpu.iota {dimensions = array<i32: 1>} : vector<1x128xi32>
    %convert_element_type3A_297 = arith.sitofp %iota3A_296 : vector<1x128xi32> to vector<1x128xf32>
    %add3A_298 = arith.constant 0.000000e+00 : f32
    %add3A_299 = vector.broadcast %add3A_298 : f32 to vector<1x128xf32>
    %add3A_300 = arith.addf %convert_element_type3A_297, %add3A_299 : vector<1x128xf32>
    %eq3A_301 = vector.broadcast %broadcast_in_dim3A_81 : vector<1024x1xf32> to vector<1024x128xf32>
    %eq3A_302 = vector.broadcast %add3A_300 : vector<1x128xf32> to vector<1024x128xf32>
    %eq3A_303 = arith.cmpf oeq, %eq3A_301, %eq3A_302 : vector<1024x128xf32>
    %convert_element_type3A_304 = arith.extui %eq3A_303 : vector<1024x128xi1> to vector<1024x128xi32>
    %convert_element_type3A_305 = arith.sitofp %convert_element_type3A_304 : vector<1024x128xi32> to vector<1024x128xf32>
    %eq3A_306 = vector.broadcast %broadcast_in_dim3A_88 : vector<1024x1xf32> to vector<1024x128xf32>
    %eq3A_307 = vector.broadcast %add3A_300 : vector<1x128xf32> to vector<1024x128xf32>
    %eq3A_308 = arith.cmpf oeq, %eq3A_306, %eq3A_307 : vector<1024x128xf32>
    %convert_element_type3A_309 = arith.extui %eq3A_308 : vector<1024x128xi1> to vector<1024x128xi32>
    %convert_element_type3A_310 = arith.sitofp %convert_element_type3A_309 : vector<1024x128xi32> to vector<1024x128xf32>
    %dot_general3A_311 = arith.constant dense<0.000000e+00> : vector<128x4xf32>
    %dot_general3A_312 = tpu.matmul %convert_element_type3A_305, %concatenate3A, %dot_general3A_311 {dimension_numbers = #tpu.dot_dimension_numbers<[0], [0], [1], [1], [0, 1, 1, 1], [], []>, transpose_lhs_hint = false} : vector<1024x128xf32>, vector<1024x4xf32>, vector<128x4xf32> -> vector<128x4xf32>
    %dot_general3A_313 = arith.constant dense<0.000000e+00> : vector<128x4xf32>
    %dot_general3A_314 = tpu.matmul %convert_element_type3A_310, %concatenate3A_295, %dot_general3A_313 {dimension_numbers = #tpu.dot_dimension_numbers<[0], [0], [1], [1], [0, 1, 1, 1], [], []>, transpose_lhs_hint = false} : vector<1024x128xf32>, vector<1024x4xf32>, vector<128x4xf32> -> vector<128x4xf32>
    %add3A_315 = arith.addf %dot_general3A_312, %dot_general3A_314 : vector<128x4xf32>
    %slice3A = vector.extract_strided_slice %add3A_315 {offsets = [0, 0], sizes = [128, 1], strides = [1, 1]} : vector<128x4xf32> to vector<128x1xf32>
    %mul3A_316 = arith.constant 6.400000e+01 : f32
    %mul3A_317 = vector.broadcast %mul3A_316 : f32 to vector<128x1xf32>
    %mul3A_318 = arith.mulf %slice3A, %mul3A_317 : vector<128x1xf32>
    %slice3A_319 = vector.extract_strided_slice %add3A_315 {offsets = [0, 1], sizes = [128, 1], strides = [1, 1]} : vector<128x4xf32> to vector<128x1xf32>
    %add3A_320 = arith.addf %mul3A_318, %slice3A_319 : vector<128x1xf32>
    %convert_element_type3A_321 = arith.fptosi %add3A_320 : vector<128x1xf32> to vector<128x1xi32>
    %swap3A_322 = arith.constant 0 : index
    %swap3A_323 = arith.constant 0 : index
    %swap3A_324 = vector.load %arg6[%swap3A_322, %swap3A_323] : memref<2048x1xi32, #tpu.memory_space<vmem>>, vector<128x1xi32>
    tpu.vector_store %arg6[%swap3A_322, %swap3A_323], %convert_element_type3A_321 {strides = array<i32>} : memref<2048x1xi32, #tpu.memory_space<vmem>>, vector<128x1xi32>,
    %slice3A_325 = vector.extract_strided_slice %add3A_315 {offsets = [0, 2], sizes = [128, 1], strides = [1, 1]} : vector<128x4xf32> to vector<128x1xf32>
    %slice3A_326 = vector.extract_strided_slice %add3A_315 {offsets = [0, 3], sizes = [128, 1], strides = [1, 1]} : vector<128x4xf32> to vector<128x1xf32>
    %add3A_327 = arith.addf %slice3A_325, %slice3A_326 : vector<128x1xf32>
    %swap3A_328 = arith.constant 0 : index
    %swap3A_329 = arith.constant 0 : index
    %swap3A_330 = vector.load %arg7[%swap3A_328, %swap3A_329] : memref<2048x1xf32, #tpu.memory_space<vmem>>, vector<128x1xf32>
    tpu.vector_store %arg7[%swap3A_328, %swap3A_329], %add3A_327 {strides = array<i32>} : memref<2048x1xf32, #tpu.memory_space<vmem>>, vector<128x1xf32>,
    %add3A_331 = arith.constant 1.280000e+02 : f32
    %add3A_332 = vector.broadcast %add3A_331 : f32 to vector<1x128xf32>
    %add3A_333 = arith.addf %convert_element_type3A_297, %add3A_332 : vector<1x128xf32>
    %eq3A_334 = vector.broadcast %broadcast_in_dim3A_81 : vector<1024x1xf32> to vector<1024x128xf32>
    %eq3A_335 = vector.broadcast %add3A_333 : vector<1x128xf32> to vector<1024x128xf32>
    %eq3A_336 = arith.cmpf oeq, %eq3A_334, %eq3A_335 : vector<1024x128xf32>
    %convert_element_type3A_337 = arith.extui %eq3A_336 : vector<1024x128xi1> to vector<1024x128xi32>
    %convert_element_type3A_338 = arith.sitofp %convert_element_type3A_337 : vector<1024x128xi32> to vector<1024x128xf32>
    %eq3A_339 = vector.broadcast %broadcast_in_dim3A_88 : vector<1024x1xf32> to vector<1024x128xf32>
    %eq3A_340 = vector.broadcast %add3A_333 : vector<1x128xf32> to vector<1024x128xf32>
    %eq3A_341 = arith.cmpf oeq, %eq3A_339, %eq3A_340 : vector<1024x128xf32>
    %convert_element_type3A_342 = arith.extui %eq3A_341 : vector<1024x128xi1> to vector<1024x128xi32>
    %convert_element_type3A_343 = arith.sitofp %convert_element_type3A_342 : vector<1024x128xi32> to vector<1024x128xf32>
    %dot_general3A_344 = arith.constant dense<0.000000e+00> : vector<128x4xf32>
    %dot_general3A_345 = tpu.matmul %convert_element_type3A_338, %concatenate3A, %dot_general3A_344 {dimension_numbers = #tpu.dot_dimension_numbers<[0], [0], [1], [1], [0, 1, 1, 1], [], []>, transpose_lhs_hint = false} : vector<1024x128xf32>, vector<1024x4xf32>, vector<128x4xf32> -> vector<128x4xf32>
    %dot_general3A_346 = arith.constant dense<0.000000e+00> : vector<128x4xf32>
    %dot_general3A_347 = tpu.matmul %convert_element_type3A_343, %concatenate3A_295, %dot_general3A_346 {dimension_numbers = #tpu.dot_dimension_numbers<[0], [0], [1], [1], [0, 1, 1, 1], [], []>, transpose_lhs_hint = false} : vector<1024x128xf32>, vector<1024x4xf32>, vector<128x4xf32> -> vector<128x4xf32>
    %add3A_348 = arith.addf %dot_general3A_345, %dot_general3A_347 : vector<128x4xf32>
    %slice3A_349 = vector.extract_strided_slice %add3A_348 {offsets = [0, 0], sizes = [128, 1], strides = [1, 1]} : vector<128x4xf32> to vector<128x1xf32>
    %mul3A_350 = arith.constant 6.400000e+01 : f32
    %mul3A_351 = vector.broadcast %mul3A_350 : f32 to vector<128x1xf32>
    %mul3A_352 = arith.mulf %slice3A_349, %mul3A_351 : vector<128x1xf32>
    %slice3A_353 = vector.extract_strided_slice %add3A_348 {offsets = [0, 1], sizes = [128, 1], strides = [1, 1]} : vector<128x4xf32> to vector<128x1xf32>
    %add3A_354 = arith.addf %mul3A_352, %slice3A_353 : vector<128x1xf32>
    %convert_element_type3A_355 = arith.fptosi %add3A_354 : vector<128x1xf32> to vector<128x1xi32>
    %swap3A_356 = arith.constant 128 : index
    %swap3A_357 = arith.constant 0 : index
    %swap3A_358 = vector.load %arg6[%swap3A_356, %swap3A_357] : memref<2048x1xi32, #tpu.memory_space<vmem>>, vector<128x1xi32>
    tpu.vector_store %arg6[%swap3A_356, %swap3A_357], %convert_element_type3A_355 {strides = array<i32>} : memref<2048x1xi32, #tpu.memory_space<vmem>>, vector<128x1xi32>,
    %slice3A_359 = vector.extract_strided_slice %add3A_348 {offsets = [0, 2], sizes = [128, 1], strides = [1, 1]} : vector<128x4xf32> to vector<128x1xf32>
    %slice3A_360 = vector.extract_strided_slice %add3A_348 {offsets = [0, 3], sizes = [128, 1], strides = [1, 1]} : vector<128x4xf32> to vector<128x1xf32>
    %add3A_361 = arith.addf %slice3A_359, %slice3A_360 : vector<128x1xf32>
    %swap3A_362 = arith.constant 128 : index
    %swap3A_363 = arith.constant 0 : index
    %swap3A_364 = vector.load %arg7[%swap3A_362, %swap3A_363] : memref<2048x1xf32, #tpu.memory_space<vmem>>, vector<128x1xf32>
    tpu.vector_store %arg7[%swap3A_362, %swap3A_363], %add3A_361 {strides = array<i32>} : memref<2048x1xf32, #tpu.memory_space<vmem>>, vector<128x1xf32>,
    %add3A_365 = arith.constant 2.560000e+02 : f32
    %add3A_366 = vector.broadcast %add3A_365 : f32 to vector<1x128xf32>
    %add3A_367 = arith.addf %convert_element_type3A_297, %add3A_366 : vector<1x128xf32>
    %eq3A_368 = vector.broadcast %broadcast_in_dim3A_81 : vector<1024x1xf32> to vector<1024x128xf32>
    %eq3A_369 = vector.broadcast %add3A_367 : vector<1x128xf32> to vector<1024x128xf32>
    %eq3A_370 = arith.cmpf oeq, %eq3A_368, %eq3A_369 : vector<1024x128xf32>
    %convert_element_type3A_371 = arith.extui %eq3A_370 : vector<1024x128xi1> to vector<1024x128xi32>
    %convert_element_type3A_372 = arith.sitofp %convert_element_type3A_371 : vector<1024x128xi32> to vector<1024x128xf32>
    %eq3A_373 = vector.broadcast %broadcast_in_dim3A_88 : vector<1024x1xf32> to vector<1024x128xf32>
    %eq3A_374 = vector.broadcast %add3A_367 : vector<1x128xf32> to vector<1024x128xf32>
    %eq3A_375 = arith.cmpf oeq, %eq3A_373, %eq3A_374 : vector<1024x128xf32>
    %convert_element_type3A_376 = arith.extui %eq3A_375 : vector<1024x128xi1> to vector<1024x128xi32>
    %convert_element_type3A_377 = arith.sitofp %convert_element_type3A_376 : vector<1024x128xi32> to vector<1024x128xf32>
    %dot_general3A_378 = arith.constant dense<0.000000e+00> : vector<128x4xf32>
    %dot_general3A_379 = tpu.matmul %convert_element_type3A_372, %concatenate3A, %dot_general3A_378 {dimension_numbers = #tpu.dot_dimension_numbers<[0], [0], [1], [1], [0, 1, 1, 1], [], []>, transpose_lhs_hint = false} : vector<1024x128xf32>, vector<1024x4xf32>, vector<128x4xf32> -> vector<128x4xf32>
    %dot_general3A_380 = arith.constant dense<0.000000e+00> : vector<128x4xf32>
    %dot_general3A_381 = tpu.matmul %convert_element_type3A_377, %concatenate3A_295, %dot_general3A_380 {dimension_numbers = #tpu.dot_dimension_numbers<[0], [0], [1], [1], [0, 1, 1, 1], [], []>, transpose_lhs_hint = false} : vector<1024x128xf32>, vector<1024x4xf32>, vector<128x4xf32> -> vector<128x4xf32>
    %add3A_382 = arith.addf %dot_general3A_379, %dot_general3A_381 : vector<128x4xf32>
    %slice3A_383 = vector.extract_strided_slice %add3A_382 {offsets = [0, 0], sizes = [128, 1], strides = [1, 1]} : vector<128x4xf32> to vector<128x1xf32>
    %mul3A_384 = arith.constant 6.400000e+01 : f32
    %mul3A_385 = vector.broadcast %mul3A_384 : f32 to vector<128x1xf32>
    %mul3A_386 = arith.mulf %slice3A_383, %mul3A_385 : vector<128x1xf32>
    %slice3A_387 = vector.extract_strided_slice %add3A_382 {offsets = [0, 1], sizes = [128, 1], strides = [1, 1]} : vector<128x4xf32> to vector<128x1xf32>
    %add3A_388 = arith.addf %mul3A_386, %slice3A_387 : vector<128x1xf32>
    %convert_element_type3A_389 = arith.fptosi %add3A_388 : vector<128x1xf32> to vector<128x1xi32>
    %swap3A_390 = arith.constant 256 : index
    %swap3A_391 = arith.constant 0 : index
    %swap3A_392 = vector.load %arg6[%swap3A_390, %swap3A_391] : memref<2048x1xi32, #tpu.memory_space<vmem>>, vector<128x1xi32>
    tpu.vector_store %arg6[%swap3A_390, %swap3A_391], %convert_element_type3A_389 {strides = array<i32>} : memref<2048x1xi32, #tpu.memory_space<vmem>>, vector<128x1xi32>,
    %slice3A_393 = vector.extract_strided_slice %add3A_382 {offsets = [0, 2], sizes = [128, 1], strides = [1, 1]} : vector<128x4xf32> to vector<128x1xf32>
    %slice3A_394 = vector.extract_strided_slice %add3A_382 {offsets = [0, 3], sizes = [128, 1], strides = [1, 1]} : vector<128x4xf32> to vector<128x1xf32>
    %add3A_395 = arith.addf %slice3A_393, %slice3A_394 : vector<128x1xf32>
    %swap3A_396 = arith.constant 256 : index
    %swap3A_397 = arith.constant 0 : index
    %swap3A_398 = vector.load %arg7[%swap3A_396, %swap3A_397] : memref<2048x1xf32, #tpu.memory_space<vmem>>, vector<128x1xf32>
    tpu.vector_store %arg7[%swap3A_396, %swap3A_397], %add3A_395 {strides = array<i32>} : memref<2048x1xf32, #tpu.memory_space<vmem>>, vector<128x1xf32>,
    %add3A_399 = arith.constant 3.840000e+02 : f32
    %add3A_400 = vector.broadcast %add3A_399 : f32 to vector<1x128xf32>
    %add3A_401 = arith.addf %convert_element_type3A_297, %add3A_400 : vector<1x128xf32>
    %eq3A_402 = vector.broadcast %broadcast_in_dim3A_81 : vector<1024x1xf32> to vector<1024x128xf32>
    %eq3A_403 = vector.broadcast %add3A_401 : vector<1x128xf32> to vector<1024x128xf32>
    %eq3A_404 = arith.cmpf oeq, %eq3A_402, %eq3A_403 : vector<1024x128xf32>
    %convert_element_type3A_405 = arith.extui %eq3A_404 : vector<1024x128xi1> to vector<1024x128xi32>
    %convert_element_type3A_406 = arith.sitofp %convert_element_type3A_405 : vector<1024x128xi32> to vector<1024x128xf32>
    %eq3A_407 = vector.broadcast %broadcast_in_dim3A_88 : vector<1024x1xf32> to vector<1024x128xf32>
    %eq3A_408 = vector.broadcast %add3A_401 : vector<1x128xf32> to vector<1024x128xf32>
    %eq3A_409 = arith.cmpf oeq, %eq3A_407, %eq3A_408 : vector<1024x128xf32>
    %convert_element_type3A_410 = arith.extui %eq3A_409 : vector<1024x128xi1> to vector<1024x128xi32>
    %convert_element_type3A_411 = arith.sitofp %convert_element_type3A_410 : vector<1024x128xi32> to vector<1024x128xf32>
    %dot_general3A_412 = arith.constant dense<0.000000e+00> : vector<128x4xf32>
    %dot_general3A_413 = tpu.matmul %convert_element_type3A_406, %concatenate3A, %dot_general3A_412 {dimension_numbers = #tpu.dot_dimension_numbers<[0], [0], [1], [1], [0, 1, 1, 1], [], []>, transpose_lhs_hint = false} : vector<1024x128xf32>, vector<1024x4xf32>, vector<128x4xf32> -> vector<128x4xf32>
    %dot_general3A_414 = arith.constant dense<0.000000e+00> : vector<128x4xf32>
    %dot_general3A_415 = tpu.matmul %convert_element_type3A_411, %concatenate3A_295, %dot_general3A_414 {dimension_numbers = #tpu.dot_dimension_numbers<[0], [0], [1], [1], [0, 1, 1, 1], [], []>, transpose_lhs_hint = false} : vector<1024x128xf32>, vector<1024x4xf32>, vector<128x4xf32> -> vector<128x4xf32>
    %add3A_416 = arith.addf %dot_general3A_413, %dot_general3A_415 : vector<128x4xf32>
    %slice3A_417 = vector.extract_strided_slice %add3A_416 {offsets = [0, 0], sizes = [128, 1], strides = [1, 1]} : vector<128x4xf32> to vector<128x1xf32>
    %mul3A_418 = arith.constant 6.400000e+01 : f32
    %mul3A_419 = vector.broadcast %mul3A_418 : f32 to vector<128x1xf32>
    %mul3A_420 = arith.mulf %slice3A_417, %mul3A_419 : vector<128x1xf32>
    %slice3A_421 = vector.extract_strided_slice %add3A_416 {offsets = [0, 1], sizes = [128, 1], strides = [1, 1]} : vector<128x4xf32> to vector<128x1xf32>
    %add3A_422 = arith.addf %mul3A_420, %slice3A_421 : vector<128x1xf32>
    %convert_element_type3A_423 = arith.fptosi %add3A_422 : vector<128x1xf32> to vector<128x1xi32>
    %swap3A_424 = arith.constant 384 : index
    %swap3A_425 = arith.constant 0 : index
    %swap3A_426 = vector.load %arg6[%swap3A_424, %swap3A_425] : memref<2048x1xi32, #tpu.memory_space<vmem>>, vector<128x1xi32>
    tpu.vector_store %arg6[%swap3A_424, %swap3A_425], %convert_element_type3A_423 {strides = array<i32>} : memref<2048x1xi32, #tpu.memory_space<vmem>>, vector<128x1xi32>,
    %slice3A_427 = vector.extract_strided_slice %add3A_416 {offsets = [0, 2], sizes = [128, 1], strides = [1, 1]} : vector<128x4xf32> to vector<128x1xf32>
    %slice3A_428 = vector.extract_strided_slice %add3A_416 {offsets = [0, 3], sizes = [128, 1], strides = [1, 1]} : vector<128x4xf32> to vector<128x1xf32>
    %add3A_429 = arith.addf %slice3A_427, %slice3A_428 : vector<128x1xf32>
    %swap3A_430 = arith.constant 384 : index
    %swap3A_431 = arith.constant 0 : index
    %swap3A_432 = vector.load %arg7[%swap3A_430, %swap3A_431] : memref<2048x1xf32, #tpu.memory_space<vmem>>, vector<128x1xf32>
    tpu.vector_store %arg7[%swap3A_430, %swap3A_431], %add3A_429 {strides = array<i32>} : memref<2048x1xf32, #tpu.memory_space<vmem>>, vector<128x1xf32>,
    %add3A_433 = arith.constant 5.120000e+02 : f32
    %add3A_434 = vector.broadcast %add3A_433 : f32 to vector<1x128xf32>
    %add3A_435 = arith.addf %convert_element_type3A_297, %add3A_434 : vector<1x128xf32>
    %eq3A_436 = vector.broadcast %broadcast_in_dim3A_81 : vector<1024x1xf32> to vector<1024x128xf32>
    %eq3A_437 = vector.broadcast %add3A_435 : vector<1x128xf32> to vector<1024x128xf32>
    %eq3A_438 = arith.cmpf oeq, %eq3A_436, %eq3A_437 : vector<1024x128xf32>
    %convert_element_type3A_439 = arith.extui %eq3A_438 : vector<1024x128xi1> to vector<1024x128xi32>
    %convert_element_type3A_440 = arith.sitofp %convert_element_type3A_439 : vector<1024x128xi32> to vector<1024x128xf32>
    %eq3A_441 = vector.broadcast %broadcast_in_dim3A_88 : vector<1024x1xf32> to vector<1024x128xf32>
    %eq3A_442 = vector.broadcast %add3A_435 : vector<1x128xf32> to vector<1024x128xf32>
    %eq3A_443 = arith.cmpf oeq, %eq3A_441, %eq3A_442 : vector<1024x128xf32>
    %convert_element_type3A_444 = arith.extui %eq3A_443 : vector<1024x128xi1> to vector<1024x128xi32>
    %convert_element_type3A_445 = arith.sitofp %convert_element_type3A_444 : vector<1024x128xi32> to vector<1024x128xf32>
    %dot_general3A_446 = arith.constant dense<0.000000e+00> : vector<128x4xf32>
    %dot_general3A_447 = tpu.matmul %convert_element_type3A_440, %concatenate3A, %dot_general3A_446 {dimension_numbers = #tpu.dot_dimension_numbers<[0], [0], [1], [1], [0, 1, 1, 1], [], []>, transpose_lhs_hint = false} : vector<1024x128xf32>, vector<1024x4xf32>, vector<128x4xf32> -> vector<128x4xf32>
    %dot_general3A_448 = arith.constant dense<0.000000e+00> : vector<128x4xf32>
    %dot_general3A_449 = tpu.matmul %convert_element_type3A_445, %concatenate3A_295, %dot_general3A_448 {dimension_numbers = #tpu.dot_dimension_numbers<[0], [0], [1], [1], [0, 1, 1, 1], [], []>, transpose_lhs_hint = false} : vector<1024x128xf32>, vector<1024x4xf32>, vector<128x4xf32> -> vector<128x4xf32>
    %add3A_450 = arith.addf %dot_general3A_447, %dot_general3A_449 : vector<128x4xf32>
    %slice3A_451 = vector.extract_strided_slice %add3A_450 {offsets = [0, 0], sizes = [128, 1], strides = [1, 1]} : vector<128x4xf32> to vector<128x1xf32>
    %mul3A_452 = arith.constant 6.400000e+01 : f32
    %mul3A_453 = vector.broadcast %mul3A_452 : f32 to vector<128x1xf32>
    %mul3A_454 = arith.mulf %slice3A_451, %mul3A_453 : vector<128x1xf32>
    %slice3A_455 = vector.extract_strided_slice %add3A_450 {offsets = [0, 1], sizes = [128, 1], strides = [1, 1]} : vector<128x4xf32> to vector<128x1xf32>
    %add3A_456 = arith.addf %mul3A_454, %slice3A_455 : vector<128x1xf32>
    %convert_element_type3A_457 = arith.fptosi %add3A_456 : vector<128x1xf32> to vector<128x1xi32>
    %swap3A_458 = arith.constant 512 : index
    %swap3A_459 = arith.constant 0 : index
    %swap3A_460 = vector.load %arg6[%swap3A_458, %swap3A_459] : memref<2048x1xi32, #tpu.memory_space<vmem>>, vector<128x1xi32>
    tpu.vector_store %arg6[%swap3A_458, %swap3A_459], %convert_element_type3A_457 {strides = array<i32>} : memref<2048x1xi32, #tpu.memory_space<vmem>>, vector<128x1xi32>,
    %slice3A_461 = vector.extract_strided_slice %add3A_450 {offsets = [0, 2], sizes = [128, 1], strides = [1, 1]} : vector<128x4xf32> to vector<128x1xf32>
    %slice3A_462 = vector.extract_strided_slice %add3A_450 {offsets = [0, 3], sizes = [128, 1], strides = [1, 1]} : vector<128x4xf32> to vector<128x1xf32>
    %add3A_463 = arith.addf %slice3A_461, %slice3A_462 : vector<128x1xf32>
    %swap3A_464 = arith.constant 512 : index
    %swap3A_465 = arith.constant 0 : index
    %swap3A_466 = vector.load %arg7[%swap3A_464, %swap3A_465] : memref<2048x1xf32, #tpu.memory_space<vmem>>, vector<128x1xf32>
    tpu.vector_store %arg7[%swap3A_464, %swap3A_465], %add3A_463 {strides = array<i32>} : memref<2048x1xf32, #tpu.memory_space<vmem>>, vector<128x1xf32>,
    %add3A_467 = arith.constant 6.400000e+02 : f32
    %add3A_468 = vector.broadcast %add3A_467 : f32 to vector<1x128xf32>
    %add3A_469 = arith.addf %convert_element_type3A_297, %add3A_468 : vector<1x128xf32>
    %eq3A_470 = vector.broadcast %broadcast_in_dim3A_81 : vector<1024x1xf32> to vector<1024x128xf32>
    %eq3A_471 = vector.broadcast %add3A_469 : vector<1x128xf32> to vector<1024x128xf32>
    %eq3A_472 = arith.cmpf oeq, %eq3A_470, %eq3A_471 : vector<1024x128xf32>
    %convert_element_type3A_473 = arith.extui %eq3A_472 : vector<1024x128xi1> to vector<1024x128xi32>
    %convert_element_type3A_474 = arith.sitofp %convert_element_type3A_473 : vector<1024x128xi32> to vector<1024x128xf32>
    %eq3A_475 = vector.broadcast %broadcast_in_dim3A_88 : vector<1024x1xf32> to vector<1024x128xf32>
    %eq3A_476 = vector.broadcast %add3A_469 : vector<1x128xf32> to vector<1024x128xf32>
    %eq3A_477 = arith.cmpf oeq, %eq3A_475, %eq3A_476 : vector<1024x128xf32>
    %convert_element_type3A_478 = arith.extui %eq3A_477 : vector<1024x128xi1> to vector<1024x128xi32>
    %convert_element_type3A_479 = arith.sitofp %convert_element_type3A_478 : vector<1024x128xi32> to vector<1024x128xf32>
    %dot_general3A_480 = arith.constant dense<0.000000e+00> : vector<128x4xf32>
    %dot_general3A_481 = tpu.matmul %convert_element_type3A_474, %concatenate3A, %dot_general3A_480 {dimension_numbers = #tpu.dot_dimension_numbers<[0], [0], [1], [1], [0, 1, 1, 1], [], []>, transpose_lhs_hint = false} : vector<1024x128xf32>, vector<1024x4xf32>, vector<128x4xf32> -> vector<128x4xf32>
    %dot_general3A_482 = arith.constant dense<0.000000e+00> : vector<128x4xf32>
    %dot_general3A_483 = tpu.matmul %convert_element_type3A_479, %concatenate3A_295, %dot_general3A_482 {dimension_numbers = #tpu.dot_dimension_numbers<[0], [0], [1], [1], [0, 1, 1, 1], [], []>, transpose_lhs_hint = false} : vector<1024x128xf32>, vector<1024x4xf32>, vector<128x4xf32> -> vector<128x4xf32>
    %add3A_484 = arith.addf %dot_general3A_481, %dot_general3A_483 : vector<128x4xf32>
    %slice3A_485 = vector.extract_strided_slice %add3A_484 {offsets = [0, 0], sizes = [128, 1], strides = [1, 1]} : vector<128x4xf32> to vector<128x1xf32>
    %mul3A_486 = arith.constant 6.400000e+01 : f32
    %mul3A_487 = vector.broadcast %mul3A_486 : f32 to vector<128x1xf32>
    %mul3A_488 = arith.mulf %slice3A_485, %mul3A_487 : vector<128x1xf32>
    %slice3A_489 = vector.extract_strided_slice %add3A_484 {offsets = [0, 1], sizes = [128, 1], strides = [1, 1]} : vector<128x4xf32> to vector<128x1xf32>
    %add3A_490 = arith.addf %mul3A_488, %slice3A_489 : vector<128x1xf32>
    %convert_element_type3A_491 = arith.fptosi %add3A_490 : vector<128x1xf32> to vector<128x1xi32>
    %swap3A_492 = arith.constant 640 : index
    %swap3A_493 = arith.constant 0 : index
    %swap3A_494 = vector.load %arg6[%swap3A_492, %swap3A_493] : memref<2048x1xi32, #tpu.memory_space<vmem>>, vector<128x1xi32>
    tpu.vector_store %arg6[%swap3A_492, %swap3A_493], %convert_element_type3A_491 {strides = array<i32>} : memref<2048x1xi32, #tpu.memory_space<vmem>>, vector<128x1xi32>,
    %slice3A_495 = vector.extract_strided_slice %add3A_484 {offsets = [0, 2], sizes = [128, 1], strides = [1, 1]} : vector<128x4xf32> to vector<128x1xf32>
    %slice3A_496 = vector.extract_strided_slice %add3A_484 {offsets = [0, 3], sizes = [128, 1], strides = [1, 1]} : vector<128x4xf32> to vector<128x1xf32>
    %add3A_497 = arith.addf %slice3A_495, %slice3A_496 : vector<128x1xf32>
    %swap3A_498 = arith.constant 640 : index
    %swap3A_499 = arith.constant 0 : index
    %swap3A_500 = vector.load %arg7[%swap3A_498, %swap3A_499] : memref<2048x1xf32, #tpu.memory_space<vmem>>, vector<128x1xf32>
    tpu.vector_store %arg7[%swap3A_498, %swap3A_499], %add3A_497 {strides = array<i32>} : memref<2048x1xf32, #tpu.memory_space<vmem>>, vector<128x1xf32>,
    %add3A_501 = arith.constant 7.680000e+02 : f32
    %add3A_502 = vector.broadcast %add3A_501 : f32 to vector<1x128xf32>
    %add3A_503 = arith.addf %convert_element_type3A_297, %add3A_502 : vector<1x128xf32>
    %eq3A_504 = vector.broadcast %broadcast_in_dim3A_81 : vector<1024x1xf32> to vector<1024x128xf32>
    %eq3A_505 = vector.broadcast %add3A_503 : vector<1x128xf32> to vector<1024x128xf32>
    %eq3A_506 = arith.cmpf oeq, %eq3A_504, %eq3A_505 : vector<1024x128xf32>
    %convert_element_type3A_507 = arith.extui %eq3A_506 : vector<1024x128xi1> to vector<1024x128xi32>
    %convert_element_type3A_508 = arith.sitofp %convert_element_type3A_507 : vector<1024x128xi32> to vector<1024x128xf32>
    %eq3A_509 = vector.broadcast %broadcast_in_dim3A_88 : vector<1024x1xf32> to vector<1024x128xf32>
    %eq3A_510 = vector.broadcast %add3A_503 : vector<1x128xf32> to vector<1024x128xf32>
    %eq3A_511 = arith.cmpf oeq, %eq3A_509, %eq3A_510 : vector<1024x128xf32>
    %convert_element_type3A_512 = arith.extui %eq3A_511 : vector<1024x128xi1> to vector<1024x128xi32>
    %convert_element_type3A_513 = arith.sitofp %convert_element_type3A_512 : vector<1024x128xi32> to vector<1024x128xf32>
    %dot_general3A_514 = arith.constant dense<0.000000e+00> : vector<128x4xf32>
    %dot_general3A_515 = tpu.matmul %convert_element_type3A_508, %concatenate3A, %dot_general3A_514 {dimension_numbers = #tpu.dot_dimension_numbers<[0], [0], [1], [1], [0, 1, 1, 1], [], []>, transpose_lhs_hint = false} : vector<1024x128xf32>, vector<1024x4xf32>, vector<128x4xf32> -> vector<128x4xf32>
    %dot_general3A_516 = arith.constant dense<0.000000e+00> : vector<128x4xf32>
    %dot_general3A_517 = tpu.matmul %convert_element_type3A_513, %concatenate3A_295, %dot_general3A_516 {dimension_numbers = #tpu.dot_dimension_numbers<[0], [0], [1], [1], [0, 1, 1, 1], [], []>, transpose_lhs_hint = false} : vector<1024x128xf32>, vector<1024x4xf32>, vector<128x4xf32> -> vector<128x4xf32>
    %add3A_518 = arith.addf %dot_general3A_515, %dot_general3A_517 : vector<128x4xf32>
    %slice3A_519 = vector.extract_strided_slice %add3A_518 {offsets = [0, 0], sizes = [128, 1], strides = [1, 1]} : vector<128x4xf32> to vector<128x1xf32>
    %mul3A_520 = arith.constant 6.400000e+01 : f32
    %mul3A_521 = vector.broadcast %mul3A_520 : f32 to vector<128x1xf32>
    %mul3A_522 = arith.mulf %slice3A_519, %mul3A_521 : vector<128x1xf32>
    %slice3A_523 = vector.extract_strided_slice %add3A_518 {offsets = [0, 1], sizes = [128, 1], strides = [1, 1]} : vector<128x4xf32> to vector<128x1xf32>
    %add3A_524 = arith.addf %mul3A_522, %slice3A_523 : vector<128x1xf32>
    %convert_element_type3A_525 = arith.fptosi %add3A_524 : vector<128x1xf32> to vector<128x1xi32>
    %swap3A_526 = arith.constant 768 : index
    %swap3A_527 = arith.constant 0 : index
    %swap3A_528 = vector.load %arg6[%swap3A_526, %swap3A_527] : memref<2048x1xi32, #tpu.memory_space<vmem>>, vector<128x1xi32>
    tpu.vector_store %arg6[%swap3A_526, %swap3A_527], %convert_element_type3A_525 {strides = array<i32>} : memref<2048x1xi32, #tpu.memory_space<vmem>>, vector<128x1xi32>,
    %slice3A_529 = vector.extract_strided_slice %add3A_518 {offsets = [0, 2], sizes = [128, 1], strides = [1, 1]} : vector<128x4xf32> to vector<128x1xf32>
    %slice3A_530 = vector.extract_strided_slice %add3A_518 {offsets = [0, 3], sizes = [128, 1], strides = [1, 1]} : vector<128x4xf32> to vector<128x1xf32>
    %add3A_531 = arith.addf %slice3A_529, %slice3A_530 : vector<128x1xf32>
    %swap3A_532 = arith.constant 768 : index
    %swap3A_533 = arith.constant 0 : index
    %swap3A_534 = vector.load %arg7[%swap3A_532, %swap3A_533] : memref<2048x1xf32, #tpu.memory_space<vmem>>, vector<128x1xf32>
    tpu.vector_store %arg7[%swap3A_532, %swap3A_533], %add3A_531 {strides = array<i32>} : memref<2048x1xf32, #tpu.memory_space<vmem>>, vector<128x1xf32>,
    %add3A_535 = arith.constant 8.960000e+02 : f32
    %add3A_536 = vector.broadcast %add3A_535 : f32 to vector<1x128xf32>
    %add3A_537 = arith.addf %convert_element_type3A_297, %add3A_536 : vector<1x128xf32>
    %eq3A_538 = vector.broadcast %broadcast_in_dim3A_81 : vector<1024x1xf32> to vector<1024x128xf32>
    %eq3A_539 = vector.broadcast %add3A_537 : vector<1x128xf32> to vector<1024x128xf32>
    %eq3A_540 = arith.cmpf oeq, %eq3A_538, %eq3A_539 : vector<1024x128xf32>
    %convert_element_type3A_541 = arith.extui %eq3A_540 : vector<1024x128xi1> to vector<1024x128xi32>
    %convert_element_type3A_542 = arith.sitofp %convert_element_type3A_541 : vector<1024x128xi32> to vector<1024x128xf32>
    %eq3A_543 = vector.broadcast %broadcast_in_dim3A_88 : vector<1024x1xf32> to vector<1024x128xf32>
    %eq3A_544 = vector.broadcast %add3A_537 : vector<1x128xf32> to vector<1024x128xf32>
    %eq3A_545 = arith.cmpf oeq, %eq3A_543, %eq3A_544 : vector<1024x128xf32>
    %convert_element_type3A_546 = arith.extui %eq3A_545 : vector<1024x128xi1> to vector<1024x128xi32>
    %convert_element_type3A_547 = arith.sitofp %convert_element_type3A_546 : vector<1024x128xi32> to vector<1024x128xf32>
    %dot_general3A_548 = arith.constant dense<0.000000e+00> : vector<128x4xf32>
    %dot_general3A_549 = tpu.matmul %convert_element_type3A_542, %concatenate3A, %dot_general3A_548 {dimension_numbers = #tpu.dot_dimension_numbers<[0], [0], [1], [1], [0, 1, 1, 1], [], []>, transpose_lhs_hint = false} : vector<1024x128xf32>, vector<1024x4xf32>, vector<128x4xf32> -> vector<128x4xf32>
    %dot_general3A_550 = arith.constant dense<0.000000e+00> : vector<128x4xf32>
    %dot_general3A_551 = tpu.matmul %convert_element_type3A_547, %concatenate3A_295, %dot_general3A_550 {dimension_numbers = #tpu.dot_dimension_numbers<[0], [0], [1], [1], [0, 1, 1, 1], [], []>, transpose_lhs_hint = false} : vector<1024x128xf32>, vector<1024x4xf32>, vector<128x4xf32> -> vector<128x4xf32>
    %add3A_552 = arith.addf %dot_general3A_549, %dot_general3A_551 : vector<128x4xf32>
    %slice3A_553 = vector.extract_strided_slice %add3A_552 {offsets = [0, 0], sizes = [128, 1], strides = [1, 1]} : vector<128x4xf32> to vector<128x1xf32>
    %mul3A_554 = arith.constant 6.400000e+01 : f32
    %mul3A_555 = vector.broadcast %mul3A_554 : f32 to vector<128x1xf32>
    %mul3A_556 = arith.mulf %slice3A_553, %mul3A_555 : vector<128x1xf32>
    %slice3A_557 = vector.extract_strided_slice %add3A_552 {offsets = [0, 1], sizes = [128, 1], strides = [1, 1]} : vector<128x4xf32> to vector<128x1xf32>
    %add3A_558 = arith.addf %mul3A_556, %slice3A_557 : vector<128x1xf32>
    %convert_element_type3A_559 = arith.fptosi %add3A_558 : vector<128x1xf32> to vector<128x1xi32>
    %swap3A_560 = arith.constant 896 : index
    %swap3A_561 = arith.constant 0 : index
    %swap3A_562 = vector.load %arg6[%swap3A_560, %swap3A_561] : memref<2048x1xi32, #tpu.memory_space<vmem>>, vector<128x1xi32>
    tpu.vector_store %arg6[%swap3A_560, %swap3A_561], %convert_element_type3A_559 {strides = array<i32>} : memref<2048x1xi32, #tpu.memory_space<vmem>>, vector<128x1xi32>,
    %slice3A_563 = vector.extract_strided_slice %add3A_552 {offsets = [0, 2], sizes = [128, 1], strides = [1, 1]} : vector<128x4xf32> to vector<128x1xf32>
    %slice3A_564 = vector.extract_strided_slice %add3A_552 {offsets = [0, 3], sizes = [128, 1], strides = [1, 1]} : vector<128x4xf32> to vector<128x1xf32>
    %add3A_565 = arith.addf %slice3A_563, %slice3A_564 : vector<128x1xf32>
    %swap3A_566 = arith.constant 896 : index
    %swap3A_567 = arith.constant 0 : index
    %swap3A_568 = vector.load %arg7[%swap3A_566, %swap3A_567] : memref<2048x1xf32, #tpu.memory_space<vmem>>, vector<128x1xf32>
    tpu.vector_store %arg7[%swap3A_566, %swap3A_567], %add3A_565 {strides = array<i32>} : memref<2048x1xf32, #tpu.memory_space<vmem>>, vector<128x1xf32>,
    %add3A_569 = arith.constant 1.024000e+03 : f32
    %add3A_570 = vector.broadcast %add3A_569 : f32 to vector<1x128xf32>
    %add3A_571 = arith.addf %convert_element_type3A_297, %add3A_570 : vector<1x128xf32>
    %eq3A_572 = vector.broadcast %broadcast_in_dim3A_81 : vector<1024x1xf32> to vector<1024x128xf32>
    %eq3A_573 = vector.broadcast %add3A_571 : vector<1x128xf32> to vector<1024x128xf32>
    %eq3A_574 = arith.cmpf oeq, %eq3A_572, %eq3A_573 : vector<1024x128xf32>
    %convert_element_type3A_575 = arith.extui %eq3A_574 : vector<1024x128xi1> to vector<1024x128xi32>
    %convert_element_type3A_576 = arith.sitofp %convert_element_type3A_575 : vector<1024x128xi32> to vector<1024x128xf32>
    %eq3A_577 = vector.broadcast %broadcast_in_dim3A_88 : vector<1024x1xf32> to vector<1024x128xf32>
    %eq3A_578 = vector.broadcast %add3A_571 : vector<1x128xf32> to vector<1024x128xf32>
    %eq3A_579 = arith.cmpf oeq, %eq3A_577, %eq3A_578 : vector<1024x128xf32>
    %convert_element_type3A_580 = arith.extui %eq3A_579 : vector<1024x128xi1> to vector<1024x128xi32>
    %convert_element_type3A_581 = arith.sitofp %convert_element_type3A_580 : vector<1024x128xi32> to vector<1024x128xf32>
    %dot_general3A_582 = arith.constant dense<0.000000e+00> : vector<128x4xf32>
    %dot_general3A_583 = tpu.matmul %convert_element_type3A_576, %concatenate3A, %dot_general3A_582 {dimension_numbers = #tpu.dot_dimension_numbers<[0], [0], [1], [1], [0, 1, 1, 1], [], []>, transpose_lhs_hint = false} : vector<1024x128xf32>, vector<1024x4xf32>, vector<128x4xf32> -> vector<128x4xf32>
    %dot_general3A_584 = arith.constant dense<0.000000e+00> : vector<128x4xf32>
    %dot_general3A_585 = tpu.matmul %convert_element_type3A_581, %concatenate3A_295, %dot_general3A_584 {dimension_numbers = #tpu.dot_dimension_numbers<[0], [0], [1], [1], [0, 1, 1, 1], [], []>, transpose_lhs_hint = false} : vector<1024x128xf32>, vector<1024x4xf32>, vector<128x4xf32> -> vector<128x4xf32>
    %add3A_586 = arith.addf %dot_general3A_583, %dot_general3A_585 : vector<128x4xf32>
    %slice3A_587 = vector.extract_strided_slice %add3A_586 {offsets = [0, 0], sizes = [128, 1], strides = [1, 1]} : vector<128x4xf32> to vector<128x1xf32>
    %mul3A_588 = arith.constant 6.400000e+01 : f32
    %mul3A_589 = vector.broadcast %mul3A_588 : f32 to vector<128x1xf32>
    %mul3A_590 = arith.mulf %slice3A_587, %mul3A_589 : vector<128x1xf32>
    %slice3A_591 = vector.extract_strided_slice %add3A_586 {offsets = [0, 1], sizes = [128, 1], strides = [1, 1]} : vector<128x4xf32> to vector<128x1xf32>
    %add3A_592 = arith.addf %mul3A_590, %slice3A_591 : vector<128x1xf32>
    %convert_element_type3A_593 = arith.fptosi %add3A_592 : vector<128x1xf32> to vector<128x1xi32>
    %swap3A_594 = arith.constant 1024 : index
    %swap3A_595 = arith.constant 0 : index
    %swap3A_596 = vector.load %arg6[%swap3A_594, %swap3A_595] : memref<2048x1xi32, #tpu.memory_space<vmem>>, vector<128x1xi32>
    tpu.vector_store %arg6[%swap3A_594, %swap3A_595], %convert_element_type3A_593 {strides = array<i32>} : memref<2048x1xi32, #tpu.memory_space<vmem>>, vector<128x1xi32>,
    %slice3A_597 = vector.extract_strided_slice %add3A_586 {offsets = [0, 2], sizes = [128, 1], strides = [1, 1]} : vector<128x4xf32> to vector<128x1xf32>
    %slice3A_598 = vector.extract_strided_slice %add3A_586 {offsets = [0, 3], sizes = [128, 1], strides = [1, 1]} : vector<128x4xf32> to vector<128x1xf32>
    %add3A_599 = arith.addf %slice3A_597, %slice3A_598 : vector<128x1xf32>
    %swap3A_600 = arith.constant 1024 : index
    %swap3A_601 = arith.constant 0 : index
    %swap3A_602 = vector.load %arg7[%swap3A_600, %swap3A_601] : memref<2048x1xf32, #tpu.memory_space<vmem>>, vector<128x1xf32>
    tpu.vector_store %arg7[%swap3A_600, %swap3A_601], %add3A_599 {strides = array<i32>} : memref<2048x1xf32, #tpu.memory_space<vmem>>, vector<128x1xf32>,
    %add3A_603 = arith.constant 1.152000e+03 : f32
    %add3A_604 = vector.broadcast %add3A_603 : f32 to vector<1x128xf32>
    %add3A_605 = arith.addf %convert_element_type3A_297, %add3A_604 : vector<1x128xf32>
    %eq3A_606 = vector.broadcast %broadcast_in_dim3A_81 : vector<1024x1xf32> to vector<1024x128xf32>
    %eq3A_607 = vector.broadcast %add3A_605 : vector<1x128xf32> to vector<1024x128xf32>
    %eq3A_608 = arith.cmpf oeq, %eq3A_606, %eq3A_607 : vector<1024x128xf32>
    %convert_element_type3A_609 = arith.extui %eq3A_608 : vector<1024x128xi1> to vector<1024x128xi32>
    %convert_element_type3A_610 = arith.sitofp %convert_element_type3A_609 : vector<1024x128xi32> to vector<1024x128xf32>
    %eq3A_611 = vector.broadcast %broadcast_in_dim3A_88 : vector<1024x1xf32> to vector<1024x128xf32>
    %eq3A_612 = vector.broadcast %add3A_605 : vector<1x128xf32> to vector<1024x128xf32>
    %eq3A_613 = arith.cmpf oeq, %eq3A_611, %eq3A_612 : vector<1024x128xf32>
    %convert_element_type3A_614 = arith.extui %eq3A_613 : vector<1024x128xi1> to vector<1024x128xi32>
    %convert_element_type3A_615 = arith.sitofp %convert_element_type3A_614 : vector<1024x128xi32> to vector<1024x128xf32>
    %dot_general3A_616 = arith.constant dense<0.000000e+00> : vector<128x4xf32>
    %dot_general3A_617 = tpu.matmul %convert_element_type3A_610, %concatenate3A, %dot_general3A_616 {dimension_numbers = #tpu.dot_dimension_numbers<[0], [0], [1], [1], [0, 1, 1, 1], [], []>, transpose_lhs_hint = false} : vector<1024x128xf32>, vector<1024x4xf32>, vector<128x4xf32> -> vector<128x4xf32>
    %dot_general3A_618 = arith.constant dense<0.000000e+00> : vector<128x4xf32>
    %dot_general3A_619 = tpu.matmul %convert_element_type3A_615, %concatenate3A_295, %dot_general3A_618 {dimension_numbers = #tpu.dot_dimension_numbers<[0], [0], [1], [1], [0, 1, 1, 1], [], []>, transpose_lhs_hint = false} : vector<1024x128xf32>, vector<1024x4xf32>, vector<128x4xf32> -> vector<128x4xf32>
    %add3A_620 = arith.addf %dot_general3A_617, %dot_general3A_619 : vector<128x4xf32>
    %slice3A_621 = vector.extract_strided_slice %add3A_620 {offsets = [0, 0], sizes = [128, 1], strides = [1, 1]} : vector<128x4xf32> to vector<128x1xf32>
    %mul3A_622 = arith.constant 6.400000e+01 : f32
    %mul3A_623 = vector.broadcast %mul3A_622 : f32 to vector<128x1xf32>
    %mul3A_624 = arith.mulf %slice3A_621, %mul3A_623 : vector<128x1xf32>
    %slice3A_625 = vector.extract_strided_slice %add3A_620 {offsets = [0, 1], sizes = [128, 1], strides = [1, 1]} : vector<128x4xf32> to vector<128x1xf32>
    %add3A_626 = arith.addf %mul3A_624, %slice3A_625 : vector<128x1xf32>
    %convert_element_type3A_627 = arith.fptosi %add3A_626 : vector<128x1xf32> to vector<128x1xi32>
    %swap3A_628 = arith.constant 1152 : index
    %swap3A_629 = arith.constant 0 : index
    %swap3A_630 = vector.load %arg6[%swap3A_628, %swap3A_629] : memref<2048x1xi32, #tpu.memory_space<vmem>>, vector<128x1xi32>
    tpu.vector_store %arg6[%swap3A_628, %swap3A_629], %convert_element_type3A_627 {strides = array<i32>} : memref<2048x1xi32, #tpu.memory_space<vmem>>, vector<128x1xi32>,
    %slice3A_631 = vector.extract_strided_slice %add3A_620 {offsets = [0, 2], sizes = [128, 1], strides = [1, 1]} : vector<128x4xf32> to vector<128x1xf32>
    %slice3A_632 = vector.extract_strided_slice %add3A_620 {offsets = [0, 3], sizes = [128, 1], strides = [1, 1]} : vector<128x4xf32> to vector<128x1xf32>
    %add3A_633 = arith.addf %slice3A_631, %slice3A_632 : vector<128x1xf32>
    %swap3A_634 = arith.constant 1152 : index
    %swap3A_635 = arith.constant 0 : index
    %swap3A_636 = vector.load %arg7[%swap3A_634, %swap3A_635] : memref<2048x1xf32, #tpu.memory_space<vmem>>, vector<128x1xf32>
    tpu.vector_store %arg7[%swap3A_634, %swap3A_635], %add3A_633 {strides = array<i32>} : memref<2048x1xf32, #tpu.memory_space<vmem>>, vector<128x1xf32>,
    %add3A_637 = arith.constant 1.280000e+03 : f32
    %add3A_638 = vector.broadcast %add3A_637 : f32 to vector<1x128xf32>
    %add3A_639 = arith.addf %convert_element_type3A_297, %add3A_638 : vector<1x128xf32>
    %eq3A_640 = vector.broadcast %broadcast_in_dim3A_81 : vector<1024x1xf32> to vector<1024x128xf32>
    %eq3A_641 = vector.broadcast %add3A_639 : vector<1x128xf32> to vector<1024x128xf32>
    %eq3A_642 = arith.cmpf oeq, %eq3A_640, %eq3A_641 : vector<1024x128xf32>
    %convert_element_type3A_643 = arith.extui %eq3A_642 : vector<1024x128xi1> to vector<1024x128xi32>
    %convert_element_type3A_644 = arith.sitofp %convert_element_type3A_643 : vector<1024x128xi32> to vector<1024x128xf32>
    %eq3A_645 = vector.broadcast %broadcast_in_dim3A_88 : vector<1024x1xf32> to vector<1024x128xf32>
    %eq3A_646 = vector.broadcast %add3A_639 : vector<1x128xf32> to vector<1024x128xf32>
    %eq3A_647 = arith.cmpf oeq, %eq3A_645, %eq3A_646 : vector<1024x128xf32>
    %convert_element_type3A_648 = arith.extui %eq3A_647 : vector<1024x128xi1> to vector<1024x128xi32>
    %convert_element_type3A_649 = arith.sitofp %convert_element_type3A_648 : vector<1024x128xi32> to vector<1024x128xf32>
    %dot_general3A_650 = arith.constant dense<0.000000e+00> : vector<128x4xf32>
    %dot_general3A_651 = tpu.matmul %convert_element_type3A_644, %concatenate3A, %dot_general3A_650 {dimension_numbers = #tpu.dot_dimension_numbers<[0], [0], [1], [1], [0, 1, 1, 1], [], []>, transpose_lhs_hint = false} : vector<1024x128xf32>, vector<1024x4xf32>, vector<128x4xf32> -> vector<128x4xf32>
    %dot_general3A_652 = arith.constant dense<0.000000e+00> : vector<128x4xf32>
    %dot_general3A_653 = tpu.matmul %convert_element_type3A_649, %concatenate3A_295, %dot_general3A_652 {dimension_numbers = #tpu.dot_dimension_numbers<[0], [0], [1], [1], [0, 1, 1, 1], [], []>, transpose_lhs_hint = false} : vector<1024x128xf32>, vector<1024x4xf32>, vector<128x4xf32> -> vector<128x4xf32>
    %add3A_654 = arith.addf %dot_general3A_651, %dot_general3A_653 : vector<128x4xf32>
    %slice3A_655 = vector.extract_strided_slice %add3A_654 {offsets = [0, 0], sizes = [128, 1], strides = [1, 1]} : vector<128x4xf32> to vector<128x1xf32>
    %mul3A_656 = arith.constant 6.400000e+01 : f32
    %mul3A_657 = vector.broadcast %mul3A_656 : f32 to vector<128x1xf32>
    %mul3A_658 = arith.mulf %slice3A_655, %mul3A_657 : vector<128x1xf32>
    %slice3A_659 = vector.extract_strided_slice %add3A_654 {offsets = [0, 1], sizes = [128, 1], strides = [1, 1]} : vector<128x4xf32> to vector<128x1xf32>
    %add3A_660 = arith.addf %mul3A_658, %slice3A_659 : vector<128x1xf32>
    %convert_element_type3A_661 = arith.fptosi %add3A_660 : vector<128x1xf32> to vector<128x1xi32>
    %swap3A_662 = arith.constant 1280 : index
    %swap3A_663 = arith.constant 0 : index
    %swap3A_664 = vector.load %arg6[%swap3A_662, %swap3A_663] : memref<2048x1xi32, #tpu.memory_space<vmem>>, vector<128x1xi32>
    tpu.vector_store %arg6[%swap3A_662, %swap3A_663], %convert_element_type3A_661 {strides = array<i32>} : memref<2048x1xi32, #tpu.memory_space<vmem>>, vector<128x1xi32>,
    %slice3A_665 = vector.extract_strided_slice %add3A_654 {offsets = [0, 2], sizes = [128, 1], strides = [1, 1]} : vector<128x4xf32> to vector<128x1xf32>
    %slice3A_666 = vector.extract_strided_slice %add3A_654 {offsets = [0, 3], sizes = [128, 1], strides = [1, 1]} : vector<128x4xf32> to vector<128x1xf32>
    %add3A_667 = arith.addf %slice3A_665, %slice3A_666 : vector<128x1xf32>
    %swap3A_668 = arith.constant 1280 : index
    %swap3A_669 = arith.constant 0 : index
    %swap3A_670 = vector.load %arg7[%swap3A_668, %swap3A_669] : memref<2048x1xf32, #tpu.memory_space<vmem>>, vector<128x1xf32>
    tpu.vector_store %arg7[%swap3A_668, %swap3A_669], %add3A_667 {strides = array<i32>} : memref<2048x1xf32, #tpu.memory_space<vmem>>, vector<128x1xf32>,
    %add3A_671 = arith.constant 1.408000e+03 : f32
    %add3A_672 = vector.broadcast %add3A_671 : f32 to vector<1x128xf32>
    %add3A_673 = arith.addf %convert_element_type3A_297, %add3A_672 : vector<1x128xf32>
    %eq3A_674 = vector.broadcast %broadcast_in_dim3A_81 : vector<1024x1xf32> to vector<1024x128xf32>
    %eq3A_675 = vector.broadcast %add3A_673 : vector<1x128xf32> to vector<1024x128xf32>
    %eq3A_676 = arith.cmpf oeq, %eq3A_674, %eq3A_675 : vector<1024x128xf32>
    %convert_element_type3A_677 = arith.extui %eq3A_676 : vector<1024x128xi1> to vector<1024x128xi32>
    %convert_element_type3A_678 = arith.sitofp %convert_element_type3A_677 : vector<1024x128xi32> to vector<1024x128xf32>
    %eq3A_679 = vector.broadcast %broadcast_in_dim3A_88 : vector<1024x1xf32> to vector<1024x128xf32>
    %eq3A_680 = vector.broadcast %add3A_673 : vector<1x128xf32> to vector<1024x128xf32>
    %eq3A_681 = arith.cmpf oeq, %eq3A_679, %eq3A_680 : vector<1024x128xf32>
    %convert_element_type3A_682 = arith.extui %eq3A_681 : vector<1024x128xi1> to vector<1024x128xi32>
    %convert_element_type3A_683 = arith.sitofp %convert_element_type3A_682 : vector<1024x128xi32> to vector<1024x128xf32>
    %dot_general3A_684 = arith.constant dense<0.000000e+00> : vector<128x4xf32>
    %dot_general3A_685 = tpu.matmul %convert_element_type3A_678, %concatenate3A, %dot_general3A_684 {dimension_numbers = #tpu.dot_dimension_numbers<[0], [0], [1], [1], [0, 1, 1, 1], [], []>, transpose_lhs_hint = false} : vector<1024x128xf32>, vector<1024x4xf32>, vector<128x4xf32> -> vector<128x4xf32>
    %dot_general3A_686 = arith.constant dense<0.000000e+00> : vector<128x4xf32>
    %dot_general3A_687 = tpu.matmul %convert_element_type3A_683, %concatenate3A_295, %dot_general3A_686 {dimension_numbers = #tpu.dot_dimension_numbers<[0], [0], [1], [1], [0, 1, 1, 1], [], []>, transpose_lhs_hint = false} : vector<1024x128xf32>, vector<1024x4xf32>, vector<128x4xf32> -> vector<128x4xf32>
    %add3A_688 = arith.addf %dot_general3A_685, %dot_general3A_687 : vector<128x4xf32>
    %slice3A_689 = vector.extract_strided_slice %add3A_688 {offsets = [0, 0], sizes = [128, 1], strides = [1, 1]} : vector<128x4xf32> to vector<128x1xf32>
    %mul3A_690 = arith.constant 6.400000e+01 : f32
    %mul3A_691 = vector.broadcast %mul3A_690 : f32 to vector<128x1xf32>
    %mul3A_692 = arith.mulf %slice3A_689, %mul3A_691 : vector<128x1xf32>
    %slice3A_693 = vector.extract_strided_slice %add3A_688 {offsets = [0, 1], sizes = [128, 1], strides = [1, 1]} : vector<128x4xf32> to vector<128x1xf32>
    %add3A_694 = arith.addf %mul3A_692, %slice3A_693 : vector<128x1xf32>
    %convert_element_type3A_695 = arith.fptosi %add3A_694 : vector<128x1xf32> to vector<128x1xi32>
    %swap3A_696 = arith.constant 1408 : index
    %swap3A_697 = arith.constant 0 : index
    %swap3A_698 = vector.load %arg6[%swap3A_696, %swap3A_697] : memref<2048x1xi32, #tpu.memory_space<vmem>>, vector<128x1xi32>
    tpu.vector_store %arg6[%swap3A_696, %swap3A_697], %convert_element_type3A_695 {strides = array<i32>} : memref<2048x1xi32, #tpu.memory_space<vmem>>, vector<128x1xi32>,
    %slice3A_699 = vector.extract_strided_slice %add3A_688 {offsets = [0, 2], sizes = [128, 1], strides = [1, 1]} : vector<128x4xf32> to vector<128x1xf32>
    %slice3A_700 = vector.extract_strided_slice %add3A_688 {offsets = [0, 3], sizes = [128, 1], strides = [1, 1]} : vector<128x4xf32> to vector<128x1xf32>
    %add3A_701 = arith.addf %slice3A_699, %slice3A_700 : vector<128x1xf32>
    %swap3A_702 = arith.constant 1408 : index
    %swap3A_703 = arith.constant 0 : index
    %swap3A_704 = vector.load %arg7[%swap3A_702, %swap3A_703] : memref<2048x1xf32, #tpu.memory_space<vmem>>, vector<128x1xf32>
    tpu.vector_store %arg7[%swap3A_702, %swap3A_703], %add3A_701 {strides = array<i32>} : memref<2048x1xf32, #tpu.memory_space<vmem>>, vector<128x1xf32>,
    %add3A_705 = arith.constant 1.536000e+03 : f32
    %add3A_706 = vector.broadcast %add3A_705 : f32 to vector<1x128xf32>
    %add3A_707 = arith.addf %convert_element_type3A_297, %add3A_706 : vector<1x128xf32>
    %eq3A_708 = vector.broadcast %broadcast_in_dim3A_81 : vector<1024x1xf32> to vector<1024x128xf32>
    %eq3A_709 = vector.broadcast %add3A_707 : vector<1x128xf32> to vector<1024x128xf32>
    %eq3A_710 = arith.cmpf oeq, %eq3A_708, %eq3A_709 : vector<1024x128xf32>
    %convert_element_type3A_711 = arith.extui %eq3A_710 : vector<1024x128xi1> to vector<1024x128xi32>
    %convert_element_type3A_712 = arith.sitofp %convert_element_type3A_711 : vector<1024x128xi32> to vector<1024x128xf32>
    %eq3A_713 = vector.broadcast %broadcast_in_dim3A_88 : vector<1024x1xf32> to vector<1024x128xf32>
    %eq3A_714 = vector.broadcast %add3A_707 : vector<1x128xf32> to vector<1024x128xf32>
    %eq3A_715 = arith.cmpf oeq, %eq3A_713, %eq3A_714 : vector<1024x128xf32>
    %convert_element_type3A_716 = arith.extui %eq3A_715 : vector<1024x128xi1> to vector<1024x128xi32>
    %convert_element_type3A_717 = arith.sitofp %convert_element_type3A_716 : vector<1024x128xi32> to vector<1024x128xf32>
    %dot_general3A_718 = arith.constant dense<0.000000e+00> : vector<128x4xf32>
    %dot_general3A_719 = tpu.matmul %convert_element_type3A_712, %concatenate3A, %dot_general3A_718 {dimension_numbers = #tpu.dot_dimension_numbers<[0], [0], [1], [1], [0, 1, 1, 1], [], []>, transpose_lhs_hint = false} : vector<1024x128xf32>, vector<1024x4xf32>, vector<128x4xf32> -> vector<128x4xf32>
    %dot_general3A_720 = arith.constant dense<0.000000e+00> : vector<128x4xf32>
    %dot_general3A_721 = tpu.matmul %convert_element_type3A_717, %concatenate3A_295, %dot_general3A_720 {dimension_numbers = #tpu.dot_dimension_numbers<[0], [0], [1], [1], [0, 1, 1, 1], [], []>, transpose_lhs_hint = false} : vector<1024x128xf32>, vector<1024x4xf32>, vector<128x4xf32> -> vector<128x4xf32>
    %add3A_722 = arith.addf %dot_general3A_719, %dot_general3A_721 : vector<128x4xf32>
    %slice3A_723 = vector.extract_strided_slice %add3A_722 {offsets = [0, 0], sizes = [128, 1], strides = [1, 1]} : vector<128x4xf32> to vector<128x1xf32>
    %mul3A_724 = arith.constant 6.400000e+01 : f32
    %mul3A_725 = vector.broadcast %mul3A_724 : f32 to vector<128x1xf32>
    %mul3A_726 = arith.mulf %slice3A_723, %mul3A_725 : vector<128x1xf32>
    %slice3A_727 = vector.extract_strided_slice %add3A_722 {offsets = [0, 1], sizes = [128, 1], strides = [1, 1]} : vector<128x4xf32> to vector<128x1xf32>
    %add3A_728 = arith.addf %mul3A_726, %slice3A_727 : vector<128x1xf32>
    %convert_element_type3A_729 = arith.fptosi %add3A_728 : vector<128x1xf32> to vector<128x1xi32>
    %swap3A_730 = arith.constant 1536 : index
    %swap3A_731 = arith.constant 0 : index
    %swap3A_732 = vector.load %arg6[%swap3A_730, %swap3A_731] : memref<2048x1xi32, #tpu.memory_space<vmem>>, vector<128x1xi32>
    tpu.vector_store %arg6[%swap3A_730, %swap3A_731], %convert_element_type3A_729 {strides = array<i32>} : memref<2048x1xi32, #tpu.memory_space<vmem>>, vector<128x1xi32>,
    %slice3A_733 = vector.extract_strided_slice %add3A_722 {offsets = [0, 2], sizes = [128, 1], strides = [1, 1]} : vector<128x4xf32> to vector<128x1xf32>
    %slice3A_734 = vector.extract_strided_slice %add3A_722 {offsets = [0, 3], sizes = [128, 1], strides = [1, 1]} : vector<128x4xf32> to vector<128x1xf32>
    %add3A_735 = arith.addf %slice3A_733, %slice3A_734 : vector<128x1xf32>
    %swap3A_736 = arith.constant 1536 : index
    %swap3A_737 = arith.constant 0 : index
    %swap3A_738 = vector.load %arg7[%swap3A_736, %swap3A_737] : memref<2048x1xf32, #tpu.memory_space<vmem>>, vector<128x1xf32>
    tpu.vector_store %arg7[%swap3A_736, %swap3A_737], %add3A_735 {strides = array<i32>} : memref<2048x1xf32, #tpu.memory_space<vmem>>, vector<128x1xf32>,
    %add3A_739 = arith.constant 1.664000e+03 : f32
    %add3A_740 = vector.broadcast %add3A_739 : f32 to vector<1x128xf32>
    %add3A_741 = arith.addf %convert_element_type3A_297, %add3A_740 : vector<1x128xf32>
    %eq3A_742 = vector.broadcast %broadcast_in_dim3A_81 : vector<1024x1xf32> to vector<1024x128xf32>
    %eq3A_743 = vector.broadcast %add3A_741 : vector<1x128xf32> to vector<1024x128xf32>
    %eq3A_744 = arith.cmpf oeq, %eq3A_742, %eq3A_743 : vector<1024x128xf32>
    %convert_element_type3A_745 = arith.extui %eq3A_744 : vector<1024x128xi1> to vector<1024x128xi32>
    %convert_element_type3A_746 = arith.sitofp %convert_element_type3A_745 : vector<1024x128xi32> to vector<1024x128xf32>
    %eq3A_747 = vector.broadcast %broadcast_in_dim3A_88 : vector<1024x1xf32> to vector<1024x128xf32>
    %eq3A_748 = vector.broadcast %add3A_741 : vector<1x128xf32> to vector<1024x128xf32>
    %eq3A_749 = arith.cmpf oeq, %eq3A_747, %eq3A_748 : vector<1024x128xf32>
    %convert_element_type3A_750 = arith.extui %eq3A_749 : vector<1024x128xi1> to vector<1024x128xi32>
    %convert_element_type3A_751 = arith.sitofp %convert_element_type3A_750 : vector<1024x128xi32> to vector<1024x128xf32>
    %dot_general3A_752 = arith.constant dense<0.000000e+00> : vector<128x4xf32>
    %dot_general3A_753 = tpu.matmul %convert_element_type3A_746, %concatenate3A, %dot_general3A_752 {dimension_numbers = #tpu.dot_dimension_numbers<[0], [0], [1], [1], [0, 1, 1, 1], [], []>, transpose_lhs_hint = false} : vector<1024x128xf32>, vector<1024x4xf32>, vector<128x4xf32> -> vector<128x4xf32>
    %dot_general3A_754 = arith.constant dense<0.000000e+00> : vector<128x4xf32>
    %dot_general3A_755 = tpu.matmul %convert_element_type3A_751, %concatenate3A_295, %dot_general3A_754 {dimension_numbers = #tpu.dot_dimension_numbers<[0], [0], [1], [1], [0, 1, 1, 1], [], []>, transpose_lhs_hint = false} : vector<1024x128xf32>, vector<1024x4xf32>, vector<128x4xf32> -> vector<128x4xf32>
    %add3A_756 = arith.addf %dot_general3A_753, %dot_general3A_755 : vector<128x4xf32>
    %slice3A_757 = vector.extract_strided_slice %add3A_756 {offsets = [0, 0], sizes = [128, 1], strides = [1, 1]} : vector<128x4xf32> to vector<128x1xf32>
    %mul3A_758 = arith.constant 6.400000e+01 : f32
    %mul3A_759 = vector.broadcast %mul3A_758 : f32 to vector<128x1xf32>
    %mul3A_760 = arith.mulf %slice3A_757, %mul3A_759 : vector<128x1xf32>
    %slice3A_761 = vector.extract_strided_slice %add3A_756 {offsets = [0, 1], sizes = [128, 1], strides = [1, 1]} : vector<128x4xf32> to vector<128x1xf32>
    %add3A_762 = arith.addf %mul3A_760, %slice3A_761 : vector<128x1xf32>
    %convert_element_type3A_763 = arith.fptosi %add3A_762 : vector<128x1xf32> to vector<128x1xi32>
    %swap3A_764 = arith.constant 1664 : index
    %swap3A_765 = arith.constant 0 : index
    %swap3A_766 = vector.load %arg6[%swap3A_764, %swap3A_765] : memref<2048x1xi32, #tpu.memory_space<vmem>>, vector<128x1xi32>
    tpu.vector_store %arg6[%swap3A_764, %swap3A_765], %convert_element_type3A_763 {strides = array<i32>} : memref<2048x1xi32, #tpu.memory_space<vmem>>, vector<128x1xi32>,
    %slice3A_767 = vector.extract_strided_slice %add3A_756 {offsets = [0, 2], sizes = [128, 1], strides = [1, 1]} : vector<128x4xf32> to vector<128x1xf32>
    %slice3A_768 = vector.extract_strided_slice %add3A_756 {offsets = [0, 3], sizes = [128, 1], strides = [1, 1]} : vector<128x4xf32> to vector<128x1xf32>
    %add3A_769 = arith.addf %slice3A_767, %slice3A_768 : vector<128x1xf32>
    %swap3A_770 = arith.constant 1664 : index
    %swap3A_771 = arith.constant 0 : index
    %swap3A_772 = vector.load %arg7[%swap3A_770, %swap3A_771] : memref<2048x1xf32, #tpu.memory_space<vmem>>, vector<128x1xf32>
    tpu.vector_store %arg7[%swap3A_770, %swap3A_771], %add3A_769 {strides = array<i32>} : memref<2048x1xf32, #tpu.memory_space<vmem>>, vector<128x1xf32>,
    %add3A_773 = arith.constant 1.792000e+03 : f32
    %add3A_774 = vector.broadcast %add3A_773 : f32 to vector<1x128xf32>
    %add3A_775 = arith.addf %convert_element_type3A_297, %add3A_774 : vector<1x128xf32>
    %eq3A_776 = vector.broadcast %broadcast_in_dim3A_81 : vector<1024x1xf32> to vector<1024x128xf32>
    %eq3A_777 = vector.broadcast %add3A_775 : vector<1x128xf32> to vector<1024x128xf32>
    %eq3A_778 = arith.cmpf oeq, %eq3A_776, %eq3A_777 : vector<1024x128xf32>
    %convert_element_type3A_779 = arith.extui %eq3A_778 : vector<1024x128xi1> to vector<1024x128xi32>
    %convert_element_type3A_780 = arith.sitofp %convert_element_type3A_779 : vector<1024x128xi32> to vector<1024x128xf32>
    %eq3A_781 = vector.broadcast %broadcast_in_dim3A_88 : vector<1024x1xf32> to vector<1024x128xf32>
    %eq3A_782 = vector.broadcast %add3A_775 : vector<1x128xf32> to vector<1024x128xf32>
    %eq3A_783 = arith.cmpf oeq, %eq3A_781, %eq3A_782 : vector<1024x128xf32>
    %convert_element_type3A_784 = arith.extui %eq3A_783 : vector<1024x128xi1> to vector<1024x128xi32>
    %convert_element_type3A_785 = arith.sitofp %convert_element_type3A_784 : vector<1024x128xi32> to vector<1024x128xf32>
    %dot_general3A_786 = arith.constant dense<0.000000e+00> : vector<128x4xf32>
    %dot_general3A_787 = tpu.matmul %convert_element_type3A_780, %concatenate3A, %dot_general3A_786 {dimension_numbers = #tpu.dot_dimension_numbers<[0], [0], [1], [1], [0, 1, 1, 1], [], []>, transpose_lhs_hint = false} : vector<1024x128xf32>, vector<1024x4xf32>, vector<128x4xf32> -> vector<128x4xf32>
    %dot_general3A_788 = arith.constant dense<0.000000e+00> : vector<128x4xf32>
    %dot_general3A_789 = tpu.matmul %convert_element_type3A_785, %concatenate3A_295, %dot_general3A_788 {dimension_numbers = #tpu.dot_dimension_numbers<[0], [0], [1], [1], [0, 1, 1, 1], [], []>, transpose_lhs_hint = false} : vector<1024x128xf32>, vector<1024x4xf32>, vector<128x4xf32> -> vector<128x4xf32>
    %add3A_790 = arith.addf %dot_general3A_787, %dot_general3A_789 : vector<128x4xf32>
    %slice3A_791 = vector.extract_strided_slice %add3A_790 {offsets = [0, 0], sizes = [128, 1], strides = [1, 1]} : vector<128x4xf32> to vector<128x1xf32>
    %mul3A_792 = arith.constant 6.400000e+01 : f32
    %mul3A_793 = vector.broadcast %mul3A_792 : f32 to vector<128x1xf32>
    %mul3A_794 = arith.mulf %slice3A_791, %mul3A_793 : vector<128x1xf32>
    %slice3A_795 = vector.extract_strided_slice %add3A_790 {offsets = [0, 1], sizes = [128, 1], strides = [1, 1]} : vector<128x4xf32> to vector<128x1xf32>
    %add3A_796 = arith.addf %mul3A_794, %slice3A_795 : vector<128x1xf32>
    %convert_element_type3A_797 = arith.fptosi %add3A_796 : vector<128x1xf32> to vector<128x1xi32>
    %swap3A_798 = arith.constant 1792 : index
    %swap3A_799 = arith.constant 0 : index
    %swap3A_800 = vector.load %arg6[%swap3A_798, %swap3A_799] : memref<2048x1xi32, #tpu.memory_space<vmem>>, vector<128x1xi32>
    tpu.vector_store %arg6[%swap3A_798, %swap3A_799], %convert_element_type3A_797 {strides = array<i32>} : memref<2048x1xi32, #tpu.memory_space<vmem>>, vector<128x1xi32>,
    %slice3A_801 = vector.extract_strided_slice %add3A_790 {offsets = [0, 2], sizes = [128, 1], strides = [1, 1]} : vector<128x4xf32> to vector<128x1xf32>
    %slice3A_802 = vector.extract_strided_slice %add3A_790 {offsets = [0, 3], sizes = [128, 1], strides = [1, 1]} : vector<128x4xf32> to vector<128x1xf32>
    %add3A_803 = arith.addf %slice3A_801, %slice3A_802 : vector<128x1xf32>
    %swap3A_804 = arith.constant 1792 : index
    %swap3A_805 = arith.constant 0 : index
    %swap3A_806 = vector.load %arg7[%swap3A_804, %swap3A_805] : memref<2048x1xf32, #tpu.memory_space<vmem>>, vector<128x1xf32>
    tpu.vector_store %arg7[%swap3A_804, %swap3A_805], %add3A_803 {strides = array<i32>} : memref<2048x1xf32, #tpu.memory_space<vmem>>, vector<128x1xf32>,
    %add3A_807 = arith.constant 1.920000e+03 : f32
    %add3A_808 = vector.broadcast %add3A_807 : f32 to vector<1x128xf32>
    %add3A_809 = arith.addf %convert_element_type3A_297, %add3A_808 : vector<1x128xf32>
    %eq3A_810 = vector.broadcast %broadcast_in_dim3A_81 : vector<1024x1xf32> to vector<1024x128xf32>
    %eq3A_811 = vector.broadcast %add3A_809 : vector<1x128xf32> to vector<1024x128xf32>
    %eq3A_812 = arith.cmpf oeq, %eq3A_810, %eq3A_811 : vector<1024x128xf32>
    %convert_element_type3A_813 = arith.extui %eq3A_812 : vector<1024x128xi1> to vector<1024x128xi32>
    %convert_element_type3A_814 = arith.sitofp %convert_element_type3A_813 : vector<1024x128xi32> to vector<1024x128xf32>
    %eq3A_815 = vector.broadcast %broadcast_in_dim3A_88 : vector<1024x1xf32> to vector<1024x128xf32>
    %eq3A_816 = vector.broadcast %add3A_809 : vector<1x128xf32> to vector<1024x128xf32>
    %eq3A_817 = arith.cmpf oeq, %eq3A_815, %eq3A_816 : vector<1024x128xf32>
    %convert_element_type3A_818 = arith.extui %eq3A_817 : vector<1024x128xi1> to vector<1024x128xi32>
    %convert_element_type3A_819 = arith.sitofp %convert_element_type3A_818 : vector<1024x128xi32> to vector<1024x128xf32>
    %dot_general3A_820 = arith.constant dense<0.000000e+00> : vector<128x4xf32>
    %dot_general3A_821 = tpu.matmul %convert_element_type3A_814, %concatenate3A, %dot_general3A_820 {dimension_numbers = #tpu.dot_dimension_numbers<[0], [0], [1], [1], [0, 1, 1, 1], [], []>, transpose_lhs_hint = false} : vector<1024x128xf32>, vector<1024x4xf32>, vector<128x4xf32> -> vector<128x4xf32>
    %dot_general3A_822 = arith.constant dense<0.000000e+00> : vector<128x4xf32>
    %dot_general3A_823 = tpu.matmul %convert_element_type3A_819, %concatenate3A_295, %dot_general3A_822 {dimension_numbers = #tpu.dot_dimension_numbers<[0], [0], [1], [1], [0, 1, 1, 1], [], []>, transpose_lhs_hint = false} : vector<1024x128xf32>, vector<1024x4xf32>, vector<128x4xf32> -> vector<128x4xf32>
    %add3A_824 = arith.addf %dot_general3A_821, %dot_general3A_823 : vector<128x4xf32>
    %slice3A_825 = vector.extract_strided_slice %add3A_824 {offsets = [0, 0], sizes = [128, 1], strides = [1, 1]} : vector<128x4xf32> to vector<128x1xf32>
    %mul3A_826 = arith.constant 6.400000e+01 : f32
    %mul3A_827 = vector.broadcast %mul3A_826 : f32 to vector<128x1xf32>
    %mul3A_828 = arith.mulf %slice3A_825, %mul3A_827 : vector<128x1xf32>
    %slice3A_829 = vector.extract_strided_slice %add3A_824 {offsets = [0, 1], sizes = [128, 1], strides = [1, 1]} : vector<128x4xf32> to vector<128x1xf32>
    %add3A_830 = arith.addf %mul3A_828, %slice3A_829 : vector<128x1xf32>
    %convert_element_type3A_831 = arith.fptosi %add3A_830 : vector<128x1xf32> to vector<128x1xi32>
    %swap3A_832 = arith.constant 1920 : index
    %swap3A_833 = arith.constant 0 : index
    %swap3A_834 = vector.load %arg6[%swap3A_832, %swap3A_833] : memref<2048x1xi32, #tpu.memory_space<vmem>>, vector<128x1xi32>
    tpu.vector_store %arg6[%swap3A_832, %swap3A_833], %convert_element_type3A_831 {strides = array<i32>} : memref<2048x1xi32, #tpu.memory_space<vmem>>, vector<128x1xi32>,
    %slice3A_835 = vector.extract_strided_slice %add3A_824 {offsets = [0, 2], sizes = [128, 1], strides = [1, 1]} : vector<128x4xf32> to vector<128x1xf32>
    %slice3A_836 = vector.extract_strided_slice %add3A_824 {offsets = [0, 3], sizes = [128, 1], strides = [1, 1]} : vector<128x4xf32> to vector<128x1xf32>
    %add3A_837 = arith.addf %slice3A_835, %slice3A_836 : vector<128x1xf32>
    %swap3A_838 = arith.constant 1920 : index
    %swap3A_839 = arith.constant 0 : index
    %swap3A_840 = vector.load %arg7[%swap3A_838, %swap3A_839] : memref<2048x1xf32, #tpu.memory_space<vmem>>, vector<128x1xf32>
    tpu.vector_store %arg7[%swap3A_838, %swap3A_839], %add3A_837 {strides = array<i32>} : memref<2048x1xf32, #tpu.memory_space<vmem>>, vector<128x1xf32>,
    %broadcast_in_dim3A_841 = arith.constant 2.048000e+03 : f32
    %broadcast_in_dim3A_842 = vector.broadcast %broadcast_in_dim3A_841 : f32 to vector<1x64xf32>
    %concatenate3A_843 = tpu.concatenate %broadcast_in_dim3A_76, %broadcast_in_dim3A_842 in 1 : vector<1x64xf32>, vector<1x64xf32> -> vector<1x128xf32>
    %convert_element_type3A_844 = arith.fptosi %concatenate3A_843 : vector<1x128xf32> to vector<1x128xi32>
    %swap3A_845 = arith.constant 0 : index
    %swap3A_846 = arith.constant 0 : index
    %swap3A_847 = vector.load %arg3[%swap3A_845, %swap3A_846] : memref<1x128xi32, #tpu.memory_space<vmem>>, vector<1x128xi32>
    tpu.vector_store %arg3[%swap3A_845, %swap3A_846], %convert_element_type3A_844 {strides = array<i32>} : memref<1x128xi32, #tpu.memory_space<vmem>>, vector<1x128xi32>,
    return
  }
  func.func @transform_0(%arg0: i32) -> (i32, i32) {
    %c0_i32 = arith.constant 0 : i32
    %c0_i32_0 = arith.constant 0 : i32
    %c0_i32_1 = arith.constant 0 : i32
    return %c0_i32, %c0_i32_0 : i32, i32
  }
  func.func @transform_1(%arg0: i32) -> (i32, i32) {
    %c0_i32 = arith.constant 0 : i32
    %c0_i32_0 = arith.constant 0 : i32
    %c0_i32_1 = arith.constant 0 : i32
    return %c0_i32, %c0_i32_0 : i32, i32
  }
  func.func @transform_2(%arg0: i32) -> (i32, i32) {
    %c0_i32 = arith.constant 0 : i32
    %c0_i32_0 = arith.constant 0 : i32
    %c0_i32_1 = arith.constant 0 : i32
    return %c0_i32, %c0_i32_0 : i32, i32
  }
  func.func @transform_3(%arg0: i32) -> (i32, i32) {
    %c0_i32 = arith.constant 0 : i32
    %c0_i32_0 = arith.constant 0 : i32
    %c0_i32_1 = arith.constant 0 : i32
    return %c0_i32, %c0_i32_0 : i32, i32
  }
  func.func @transform_4(%arg0: i32) -> (i32, i32) {
    %c0_i32 = arith.constant 0 : i32
    %c0_i32_0 = arith.constant 0 : i32
    %c0_i32_1 = arith.constant 0 : i32
    return %c0_i32, %c0_i32_0 : i32, i32
  }
  func.func @transform_5(%arg0: i32) -> (i32, i32) {
    %c0_i32 = arith.constant 0 : i32
    %c0_i32_0 = arith.constant 0 : i32
    %c0_i32_1 = arith.constant 0 : i32
    return %c0_i32, %c0_i32_0 : i32, i32
  }
  func.func @transform_6(%arg0: i32) -> (i32, i32) {
    %c0_i32 = arith.constant 0 : i32
    %c0_i32_0 = arith.constant 0 : i32
    %c0_i32_1 = arith.constant 0 : i32
    return %c0_i32, %c0_i32_0 : i32, i32
  }
  func.func @transform_7(%arg0: i32) -> (i32, i32) {
    %c0_i32 = arith.constant 0 : i32
    %c0_i32_0 = arith.constant 0 : i32
    %c0_i32_1 = arith.constant 0 : i32
    return %c0_i32, %c0_i32_0 : i32, i32
  }
}

module attributes {stable_mosaic.version = 14 : i64} {
  func.func @_moe_body(%arg0: i32, %arg1: memref<128xi32, #tpu.memory_space<smem>>, %arg2: memref<128xi32, #tpu.memory_space<smem>>, %arg3: memref<128xi32, #tpu.memory_space<smem>>, %arg4: memref<1024x768xf32, #tpu.memory_space<vmem>>, %arg5: memref<2048x768xf32, #tpu.memory_space<vmem>>, %arg6: memref<64x768x128xf32, #tpu.memory_space<vmem>>, %arg7: memref<64x128xf32, #tpu.memory_space<vmem>>, %arg8: memref<2x768x128xf32, #tpu.memory_space<vmem>>, %arg9: memref<2x128xf32, #tpu.memory_space<vmem>>, %arg10: memref<128x256xf32, #tpu.memory_space<vmem>>, %arg11: memref<1x256xf32, #tpu.memory_space<vmem>>, %arg12: memref<2048x1xi32, #tpu.memory_space<vmem>>, %arg13: memref<2048x1xf32, #tpu.memory_space<vmem>>, %arg14: memref<1024x1xi32, #tpu.memory_space<vmem>>, %arg15: memref<1024x32xf32, #tpu.memory_space<vmem>>, %arg16: memref<2048x128xf32, #tpu.memory_space<vmem>>, %arg17: memref<1024x128xf32, #tpu.memory_space<vmem>>) attributes {dimension_semantics = [#tpu.dimension_semantics<arbitrary>], iteration_bounds = array<i64: 80>, scalar_prefetch = 3 : i64, scratch_operands = 2 : i64, tpu.core_type = #tpu.core_type<tc>, window_params = [{pipeline_mode = #tpu.pipeline_mode<synchronous>, transform_indices = @transform_0, window_bounds = array<i64: 1024, 768>}, {pipeline_mode = #tpu.pipeline_mode<synchronous>, transform_indices = @transform_1, window_bounds = array<i64: 2048, 768>}, {pipeline_mode = #tpu.pipeline_mode<synchronous>, transform_indices = @transform_2, window_bounds = array<i64: 64, 768, 128>}, {pipeline_mode = #tpu.pipeline_mode<synchronous>, transform_indices = @transform_3, window_bounds = array<i64: 64, 128>}, {pipeline_mode = #tpu.pipeline_mode<synchronous>, transform_indices = @transform_4, window_bounds = array<i64: 2, 768, 128>}, {pipeline_mode = #tpu.pipeline_mode<synchronous>, transform_indices = @transform_5, window_bounds = array<i64: 2, 128>}, {pipeline_mode = #tpu.pipeline_mode<synchronous>, transform_indices = @transform_6, window_bounds = array<i64: 128, 256>}, {pipeline_mode = #tpu.pipeline_mode<synchronous>, transform_indices = @transform_7, window_bounds = array<i64: 1, 256>}, {pipeline_mode = #tpu.pipeline_mode<synchronous>, transform_indices = @transform_8, window_bounds = array<i64: 2048, 1>}, {pipeline_mode = #tpu.pipeline_mode<synchronous>, transform_indices = @transform_9, window_bounds = array<i64: 2048, 1>}, {pipeline_mode = #tpu.pipeline_mode<synchronous>, transform_indices = @transform_10, window_bounds = array<i64: 1024, 1>}, {pipeline_mode = #tpu.pipeline_mode<synchronous>, transform_indices = @transform_11, window_bounds = array<i64: 1024, 32>}]} {
    %eq3A = arith.constant 0 : i32
    %eq3A_0 = arith.cmpi eq, %arg0, %eq3A : i32
    %convert_element_type3A = arith.extui %eq3A_0 : i1 to i32
    %cond3A = arith.constant 0 : i32
    %cond3A_1 = arith.cmpi ne, %convert_element_type3A, %cond3A : i32
    scf.if %cond3A_1 {
      %get3A_49 = arith.constant 0 : index
      %get3A_50 = arith.constant 0 : index
      %get3A_51 = vector.load %arg4[%get3A_49, %get3A_50] : memref<1024x768xf32, #tpu.memory_space<vmem>>, vector<1024x768xf32>
      %broadcast_in_dim3A_52 = arith.constant 0.000000e+00 : f32
      %broadcast_in_dim3A_53 = vector.broadcast %broadcast_in_dim3A_52 : f32 to vector<2048x128xf32>
      %swap3A_54 = arith.constant 0 : index
      %swap3A_55 = arith.constant 0 : index
      %swap3A_56 = vector.load %arg16[%swap3A_54, %swap3A_55] : memref<2048x128xf32, #tpu.memory_space<vmem>>, vector<2048x128xf32>
      tpu.vector_store %arg16[%swap3A_54, %swap3A_55], %broadcast_in_dim3A_53 {strides = array<i32>} : memref<2048x128xf32, #tpu.memory_space<vmem>>, vector<2048x128xf32>,
      %broadcast_in_dim3A_57 = arith.constant 0.000000e+00 : f32
      %broadcast_in_dim3A_58 = vector.broadcast %broadcast_in_dim3A_57 : f32 to vector<1024x128xf32>
      %get3A_59 = arith.constant 0 : index
      %get3A_60 = arith.constant 0 : index
      %get3A_61 = arith.constant 0 : index
      %get3A_62 = vector.load %arg8[%get3A_59, %get3A_60, %get3A_61] : memref<2x768x128xf32, #tpu.memory_space<vmem>>, vector<1x768x128xf32>
      %get3A_63 = vector.shape_cast %get3A_62 : vector<1x768x128xf32> to vector<768x128xf32>
      %dot_general3A_64 = arith.constant dense<0.000000e+00> : vector<1024x128xf32>
      %dot_general3A_65 = tpu.matmul %get3A_51, %get3A_63, %dot_general3A_64 {dimension_numbers = #tpu.dot_dimension_numbers<[1], [0], [0], [1], [0, 0, 1, 1], [], []>, transpose_lhs_hint = false} : vector<1024x768xf32>, vector<768x128xf32>, vector<1024x128xf32> -> vector<1024x128xf32>
      %get3A_66 = arith.constant 0 : index
      %get3A_67 = arith.constant 0 : index
      %get3A_68 = vector.load %arg9[%get3A_66, %get3A_67] : memref<2x128xf32, #tpu.memory_space<vmem>>, vector<1x128xf32>
      %get3A_69 = vector.shape_cast %get3A_68 : vector<1x128xf32> to vector<128xf32>
      %broadcast_in_dim3A_70 = vector.shape_cast %get3A_69 : vector<128xf32> to vector<1x128xf32>
      %add3A_71 = vector.broadcast %broadcast_in_dim3A_70 : vector<1x128xf32> to vector<1024x128xf32>
      %add3A_72 = arith.addf %dot_general3A_65, %add3A_71 : vector<1024x128xf32>
      %max3A_73 = arith.constant 0.000000e+00 : f32
      %max3A_74 = vector.broadcast %max3A_73 : f32 to vector<1024x128xf32>
      %max3A_75 = arith.maximumf %add3A_72, %max3A_74 : vector<1024x128xf32>
      %add3A_76 = arith.addf %broadcast_in_dim3A_58, %max3A_75 : vector<1024x128xf32>
      %get3A_77 = arith.constant 1 : index
      %get3A_78 = arith.constant 0 : index
      %get3A_79 = arith.constant 0 : index
      %get3A_80 = vector.load %arg8[%get3A_77, %get3A_78, %get3A_79] : memref<2x768x128xf32, #tpu.memory_space<vmem>>, vector<1x768x128xf32>
      %get3A_81 = vector.shape_cast %get3A_80 : vector<1x768x128xf32> to vector<768x128xf32>
      %dot_general3A_82 = arith.constant dense<0.000000e+00> : vector<1024x128xf32>
      %dot_general3A_83 = tpu.matmul %get3A_51, %get3A_81, %dot_general3A_82 {dimension_numbers = #tpu.dot_dimension_numbers<[1], [0], [0], [1], [0, 0, 1, 1], [], []>, transpose_lhs_hint = false} : vector<1024x768xf32>, vector<768x128xf32>, vector<1024x128xf32> -> vector<1024x128xf32>
      %get3A_84 = arith.constant 1 : index
      %get3A_85 = arith.constant 0 : index
      %get3A_86 = vector.load %arg9[%get3A_84, %get3A_85] : memref<2x128xf32, #tpu.memory_space<vmem>>, vector<1x128xf32>
      %get3A_87 = vector.shape_cast %get3A_86 : vector<1x128xf32> to vector<128xf32>
      %broadcast_in_dim3A_88 = vector.shape_cast %get3A_87 : vector<128xf32> to vector<1x128xf32>
      %add3A_89 = vector.broadcast %broadcast_in_dim3A_88 : vector<1x128xf32> to vector<1024x128xf32>
      %add3A_90 = arith.addf %dot_general3A_83, %add3A_89 : vector<1024x128xf32>
      %max3A_91 = arith.constant 0.000000e+00 : f32
      %max3A_92 = vector.broadcast %max3A_91 : f32 to vector<1024x128xf32>
      %max3A_93 = arith.maximumf %add3A_90, %max3A_92 : vector<1024x128xf32>
      %add3A_94 = arith.addf %add3A_76, %max3A_93 : vector<1024x128xf32>
      %mul3A_95 = arith.constant 5.000000e-01 : f32
      %mul3A_96 = vector.broadcast %mul3A_95 : f32 to vector<1024x128xf32>
      %mul3A_97 = arith.mulf %add3A_94, %mul3A_96 : vector<1024x128xf32>
      %swap3A_98 = arith.constant 0 : index
      %swap3A_99 = arith.constant 0 : index
      %swap3A_100 = vector.load %arg17[%swap3A_98, %swap3A_99] : memref<1024x128xf32, #tpu.memory_space<vmem>>, vector<1024x128xf32>
      tpu.vector_store %arg17[%swap3A_98, %swap3A_99], %mul3A_97 {strides = array<i32>} : memref<1024x128xf32, #tpu.memory_space<vmem>>, vector<1024x128xf32>,
    } else {
    }
    %get3A = arith.index_cast %arg0 : i32 to index
    %get3A_2 = memref.load %arg2[%get3A] : memref<128xi32, #tpu.memory_space<smem>>
    %min3A = arith.constant 63 : i32
    %min3A_3 = arith.minsi %get3A_2, %min3A : i32
    %get3A_4 = arith.index_cast %get3A_2 : i32 to index
    %get3A_5 = memref.load %arg1[%get3A_4] : memref<128xi32, #tpu.memory_space<smem>>
    %add3A = arith.constant 1 : i32
    %add3A_6 = arith.addi %get3A_2, %add3A : i32
    %get3A_7 = arith.index_cast %add3A_6 : i32 to index
    %get3A_8 = memref.load %arg1[%get3A_7] : memref<128xi32, #tpu.memory_space<smem>>
    %get3A_9 = arith.index_cast %arg0 : i32 to index
    %get3A_10 = memref.load %arg3[%get3A_9] : memref<128xi32, #tpu.memory_space<smem>>
    %mul3A = arith.constant 128 : i32
    %mul3A_11 = arith.muli %get3A_10, %mul3A : i32
    %get3A_12 = arith.index_cast %min3A_3 : i32 to index
    %get3A_13 = arith.constant 0 : index
    %get3A_14 = arith.constant 0 : index
    %get3A_15 = vector.load %arg6[%get3A_12, %get3A_13, %get3A_14] : memref<64x768x128xf32, #tpu.memory_space<vmem>>, vector<1x768x128xf32>
    %squeeze3A = vector.shape_cast %get3A_15 : vector<1x768x128xf32> to vector<768x128xf32>
    %get3A_16 = arith.index_cast %min3A_3 : i32 to index
    %get3A_17 = arith.constant 0 : index
    %get3A_18 = vector.load %arg7[%get3A_16, %get3A_17] : memref<64x128xf32, #tpu.memory_space<vmem>>, vector<1x128xf32>
    %iota3A = tpu.iota {dimensions = array<i32: 0>} : vector<128x1xi32>
    %get3A_19 = arith.index_cast %mul3A_11 : i32 to index
    %get3A_20 = arith.constant 0 : index
    %get3A_21 = vector.load %arg5[%get3A_19, %get3A_20] : memref<2048x768xf32, #tpu.memory_space<vmem>>, vector<128x768xf32>
    %dot_general3A = arith.constant dense<0.000000e+00> : vector<128x128xf32>
    %dot_general3A_22 = tpu.matmul %get3A_21, %squeeze3A, %dot_general3A {dimension_numbers = #tpu.dot_dimension_numbers<[1], [0], [0], [1], [0, 0, 1, 1], [], []>, transpose_lhs_hint = false} : vector<128x768xf32>, vector<768x128xf32>, vector<128x128xf32> -> vector<128x128xf32>
    %add3A_23 = vector.broadcast %get3A_18 : vector<1x128xf32> to vector<128x128xf32>
    %add3A_24 = arith.addf %dot_general3A_22, %add3A_23 : vector<128x128xf32>
    %max3A = arith.constant 0.000000e+00 : f32
    %max3A_25 = vector.broadcast %max3A : f32 to vector<128x128xf32>
    %max3A_26 = arith.maximumf %add3A_24, %max3A_25 : vector<128x128xf32>
    %add3A_27 = vector.broadcast %mul3A_11 : i32 to vector<128x1xi32>
    %add3A_28 = arith.addi %add3A_27, %iota3A : vector<128x1xi32>
    %ge3A = vector.broadcast %get3A_5 : i32 to vector<128x1xi32>
    %ge3A_29 = arith.cmpi sge, %add3A_28, %ge3A : vector<128x1xi32>
    %lt3A = vector.broadcast %get3A_8 : i32 to vector<128x1xi32>
    %lt3A_30 = arith.cmpi slt, %add3A_28, %lt3A : vector<128x1xi32>
    %and3A = arith.andi %ge3A_29, %lt3A_30 : vector<128x1xi1>
    %get3A_31 = arith.index_cast %mul3A_11 : i32 to index
    %get3A_32 = arith.constant 0 : index
    %get3A_33 = vector.load %arg13[%get3A_31, %get3A_32] : memref<2048x1xf32, #tpu.memory_space<vmem>>, vector<128x1xf32>
    %mul3A_34 = vector.broadcast %get3A_33 : vector<128x1xf32> to vector<128x128xf32>
    %mul3A_35 = arith.mulf %mul3A_34, %max3A_26 : vector<128x128xf32>
    %jit3A = arith.constant 0.000000e+00 : f32
    %broadcast_in_dim3A = vector.shape_cast %and3A : vector<128x1xi1> to vector<128x1xi1>
    %broadcast_in_dim3A_36 = vector.broadcast %broadcast_in_dim3A : vector<128x1xi1> to vector<128x128xi1>
    %broadcast_in_dim3A_37 = vector.broadcast %jit3A : f32 to vector<128x128xf32>
    %select_n3A = arith.select %broadcast_in_dim3A_36, %mul3A_35, %broadcast_in_dim3A_37 : vector<128x128xi1>, vector<128x128xf32>
    %get3A_38 = arith.index_cast %mul3A_11 : i32 to index
    %get3A_39 = arith.constant 0 : index
    %get3A_40 = vector.load %arg16[%get3A_38, %get3A_39] : memref<2048x128xf32, #tpu.memory_space<vmem>>, vector<128x128xf32>
    %add3A_41 = arith.addf %get3A_40, %select_n3A : vector<128x128xf32>
    %swap3A = arith.index_cast %mul3A_11 : i32 to index
    %swap3A_42 = arith.constant 0 : index
    %swap3A_43 = vector.load %arg16[%swap3A, %swap3A_42] : memref<2048x128xf32, #tpu.memory_space<vmem>>, vector<128x128xf32>
    tpu.vector_store %arg16[%swap3A, %swap3A_42], %add3A_41 {strides = array<i32>} : memref<2048x128xf32, #tpu.memory_space<vmem>>, vector<128x128xf32>,
    %eq3A_44 = arith.constant 79 : i32
    %eq3A_45 = arith.cmpi eq, %arg0, %eq3A_44 : i32
    %convert_element_type3A_46 = arith.extui %eq3A_45 : i1 to i32
    %cond3A_47 = arith.constant 0 : i32
    %cond3A_48 = arith.cmpi ne, %convert_element_type3A_46, %cond3A_47 : i32
    scf.if %cond3A_48 {
      %iota3A_49 = tpu.iota {dimensions = array<i32: 1>} : vector<1x1024xi32>
      %get3A_50 = arith.constant 0 : index
      %get3A_51 = arith.constant 0 : index
      %get3A_52 = vector.load %arg17[%get3A_50, %get3A_51] : memref<1024x128xf32, #tpu.memory_space<vmem>>, vector<1024x128xf32>
      %get3A_53 = arith.constant 0 : index
      %get3A_54 = arith.constant 0 : index
      %get3A_55 = vector.load %arg12[%get3A_53, %get3A_54] : memref<2048x1xi32, #tpu.memory_space<vmem>>, vector<128x1xi32>
      %eq3A_56 = vector.broadcast %get3A_55 : vector<128x1xi32> to vector<128x1024xi32>
      %eq3A_57 = vector.broadcast %iota3A_49 : vector<1x1024xi32> to vector<128x1024xi32>
      %eq3A_58 = arith.cmpi eq, %eq3A_56, %eq3A_57 : vector<128x1024xi32>
      %convert_element_type3A_59 = arith.extui %eq3A_58 : vector<128x1024xi1> to vector<128x1024xi32>
      %convert_element_type3A_60 = arith.sitofp %convert_element_type3A_59 : vector<128x1024xi32> to vector<128x1024xf32>
      %get3A_61 = arith.constant 0 : index
      %get3A_62 = arith.constant 0 : index
      %get3A_63 = vector.load %arg16[%get3A_61, %get3A_62] : memref<2048x128xf32, #tpu.memory_space<vmem>>, vector<128x128xf32>
      %dot_general3A_64 = arith.constant dense<0.000000e+00> : vector<1024x128xf32>
      %dot_general3A_65 = tpu.matmul %convert_element_type3A_60, %get3A_63, %dot_general3A_64 {dimension_numbers = #tpu.dot_dimension_numbers<[0], [0], [1], [1], [0, 1, 1, 1], [], []>, transpose_lhs_hint = false} : vector<128x1024xf32>, vector<128x128xf32>, vector<1024x128xf32> -> vector<1024x128xf32>
      %add3A_66 = arith.addf %get3A_52, %dot_general3A_65 : vector<1024x128xf32>
      %get3A_67 = arith.constant 128 : index
      %get3A_68 = arith.constant 0 : index
      %get3A_69 = vector.load %arg12[%get3A_67, %get3A_68] : memref<2048x1xi32, #tpu.memory_space<vmem>>, vector<128x1xi32>
      %eq3A_70 = vector.broadcast %get3A_69 : vector<128x1xi32> to vector<128x1024xi32>
      %eq3A_71 = vector.broadcast %iota3A_49 : vector<1x1024xi32> to vector<128x1024xi32>
      %eq3A_72 = arith.cmpi eq, %eq3A_70, %eq3A_71 : vector<128x1024xi32>
      %convert_element_type3A_73 = arith.extui %eq3A_72 : vector<128x1024xi1> to vector<128x1024xi32>
      %convert_element_type3A_74 = arith.sitofp %convert_element_type3A_73 : vector<128x1024xi32> to vector<128x1024xf32>
      %get3A_75 = arith.constant 128 : index
      %get3A_76 = arith.constant 0 : index
      %get3A_77 = vector.load %arg16[%get3A_75, %get3A_76] : memref<2048x128xf32, #tpu.memory_space<vmem>>, vector<128x128xf32>
      %dot_general3A_78 = arith.constant dense<0.000000e+00> : vector<1024x128xf32>
      %dot_general3A_79 = tpu.matmul %convert_element_type3A_74, %get3A_77, %dot_general3A_78 {dimension_numbers = #tpu.dot_dimension_numbers<[0], [0], [1], [1], [0, 1, 1, 1], [], []>, transpose_lhs_hint = false} : vector<128x1024xf32>, vector<128x128xf32>, vector<1024x128xf32> -> vector<1024x128xf32>
      %add3A_80 = arith.addf %add3A_66, %dot_general3A_79 : vector<1024x128xf32>
      %get3A_81 = arith.constant 256 : index
      %get3A_82 = arith.constant 0 : index
      %get3A_83 = vector.load %arg12[%get3A_81, %get3A_82] : memref<2048x1xi32, #tpu.memory_space<vmem>>, vector<128x1xi32>
      %eq3A_84 = vector.broadcast %get3A_83 : vector<128x1xi32> to vector<128x1024xi32>
      %eq3A_85 = vector.broadcast %iota3A_49 : vector<1x1024xi32> to vector<128x1024xi32>
      %eq3A_86 = arith.cmpi eq, %eq3A_84, %eq3A_85 : vector<128x1024xi32>
      %convert_element_type3A_87 = arith.extui %eq3A_86 : vector<128x1024xi1> to vector<128x1024xi32>
      %convert_element_type3A_88 = arith.sitofp %convert_element_type3A_87 : vector<128x1024xi32> to vector<128x1024xf32>
      %get3A_89 = arith.constant 256 : index
      %get3A_90 = arith.constant 0 : index
      %get3A_91 = vector.load %arg16[%get3A_89, %get3A_90] : memref<2048x128xf32, #tpu.memory_space<vmem>>, vector<128x128xf32>
      %dot_general3A_92 = arith.constant dense<0.000000e+00> : vector<1024x128xf32>
      %dot_general3A_93 = tpu.matmul %convert_element_type3A_88, %get3A_91, %dot_general3A_92 {dimension_numbers = #tpu.dot_dimension_numbers<[0], [0], [1], [1], [0, 1, 1, 1], [], []>, transpose_lhs_hint = false} : vector<128x1024xf32>, vector<128x128xf32>, vector<1024x128xf32> -> vector<1024x128xf32>
      %add3A_94 = arith.addf %add3A_80, %dot_general3A_93 : vector<1024x128xf32>
      %get3A_95 = arith.constant 384 : index
      %get3A_96 = arith.constant 0 : index
      %get3A_97 = vector.load %arg12[%get3A_95, %get3A_96] : memref<2048x1xi32, #tpu.memory_space<vmem>>, vector<128x1xi32>
      %eq3A_98 = vector.broadcast %get3A_97 : vector<128x1xi32> to vector<128x1024xi32>
      %eq3A_99 = vector.broadcast %iota3A_49 : vector<1x1024xi32> to vector<128x1024xi32>
      %eq3A_100 = arith.cmpi eq, %eq3A_98, %eq3A_99 : vector<128x1024xi32>
      %convert_element_type3A_101 = arith.extui %eq3A_100 : vector<128x1024xi1> to vector<128x1024xi32>
      %convert_element_type3A_102 = arith.sitofp %convert_element_type3A_101 : vector<128x1024xi32> to vector<128x1024xf32>
      %get3A_103 = arith.constant 384 : index
      %get3A_104 = arith.constant 0 : index
      %get3A_105 = vector.load %arg16[%get3A_103, %get3A_104] : memref<2048x128xf32, #tpu.memory_space<vmem>>, vector<128x128xf32>
      %dot_general3A_106 = arith.constant dense<0.000000e+00> : vector<1024x128xf32>
      %dot_general3A_107 = tpu.matmul %convert_element_type3A_102, %get3A_105, %dot_general3A_106 {dimension_numbers = #tpu.dot_dimension_numbers<[0], [0], [1], [1], [0, 1, 1, 1], [], []>, transpose_lhs_hint = false} : vector<128x1024xf32>, vector<128x128xf32>, vector<1024x128xf32> -> vector<1024x128xf32>
      %add3A_108 = arith.addf %add3A_94, %dot_general3A_107 : vector<1024x128xf32>
      %get3A_109 = arith.constant 512 : index
      %get3A_110 = arith.constant 0 : index
      %get3A_111 = vector.load %arg12[%get3A_109, %get3A_110] : memref<2048x1xi32, #tpu.memory_space<vmem>>, vector<128x1xi32>
      %eq3A_112 = vector.broadcast %get3A_111 : vector<128x1xi32> to vector<128x1024xi32>
      %eq3A_113 = vector.broadcast %iota3A_49 : vector<1x1024xi32> to vector<128x1024xi32>
      %eq3A_114 = arith.cmpi eq, %eq3A_112, %eq3A_113 : vector<128x1024xi32>
      %convert_element_type3A_115 = arith.extui %eq3A_114 : vector<128x1024xi1> to vector<128x1024xi32>
      %convert_element_type3A_116 = arith.sitofp %convert_element_type3A_115 : vector<128x1024xi32> to vector<128x1024xf32>
      %get3A_117 = arith.constant 512 : index
      %get3A_118 = arith.constant 0 : index
      %get3A_119 = vector.load %arg16[%get3A_117, %get3A_118] : memref<2048x128xf32, #tpu.memory_space<vmem>>, vector<128x128xf32>
      %dot_general3A_120 = arith.constant dense<0.000000e+00> : vector<1024x128xf32>
      %dot_general3A_121 = tpu.matmul %convert_element_type3A_116, %get3A_119, %dot_general3A_120 {dimension_numbers = #tpu.dot_dimension_numbers<[0], [0], [1], [1], [0, 1, 1, 1], [], []>, transpose_lhs_hint = false} : vector<128x1024xf32>, vector<128x128xf32>, vector<1024x128xf32> -> vector<1024x128xf32>
      %add3A_122 = arith.addf %add3A_108, %dot_general3A_121 : vector<1024x128xf32>
      %get3A_123 = arith.constant 640 : index
      %get3A_124 = arith.constant 0 : index
      %get3A_125 = vector.load %arg12[%get3A_123, %get3A_124] : memref<2048x1xi32, #tpu.memory_space<vmem>>, vector<128x1xi32>
      %eq3A_126 = vector.broadcast %get3A_125 : vector<128x1xi32> to vector<128x1024xi32>
      %eq3A_127 = vector.broadcast %iota3A_49 : vector<1x1024xi32> to vector<128x1024xi32>
      %eq3A_128 = arith.cmpi eq, %eq3A_126, %eq3A_127 : vector<128x1024xi32>
      %convert_element_type3A_129 = arith.extui %eq3A_128 : vector<128x1024xi1> to vector<128x1024xi32>
      %convert_element_type3A_130 = arith.sitofp %convert_element_type3A_129 : vector<128x1024xi32> to vector<128x1024xf32>
      %get3A_131 = arith.constant 640 : index
      %get3A_132 = arith.constant 0 : index
      %get3A_133 = vector.load %arg16[%get3A_131, %get3A_132] : memref<2048x128xf32, #tpu.memory_space<vmem>>, vector<128x128xf32>
      %dot_general3A_134 = arith.constant dense<0.000000e+00> : vector<1024x128xf32>
      %dot_general3A_135 = tpu.matmul %convert_element_type3A_130, %get3A_133, %dot_general3A_134 {dimension_numbers = #tpu.dot_dimension_numbers<[0], [0], [1], [1], [0, 1, 1, 1], [], []>, transpose_lhs_hint = false} : vector<128x1024xf32>, vector<128x128xf32>, vector<1024x128xf32> -> vector<1024x128xf32>
      %add3A_136 = arith.addf %add3A_122, %dot_general3A_135 : vector<1024x128xf32>
      %get3A_137 = arith.constant 768 : index
      %get3A_138 = arith.constant 0 : index
      %get3A_139 = vector.load %arg12[%get3A_137, %get3A_138] : memref<2048x1xi32, #tpu.memory_space<vmem>>, vector<128x1xi32>
      %eq3A_140 = vector.broadcast %get3A_139 : vector<128x1xi32> to vector<128x1024xi32>
      %eq3A_141 = vector.broadcast %iota3A_49 : vector<1x1024xi32> to vector<128x1024xi32>
      %eq3A_142 = arith.cmpi eq, %eq3A_140, %eq3A_141 : vector<128x1024xi32>
      %convert_element_type3A_143 = arith.extui %eq3A_142 : vector<128x1024xi1> to vector<128x1024xi32>
      %convert_element_type3A_144 = arith.sitofp %convert_element_type3A_143 : vector<128x1024xi32> to vector<128x1024xf32>
      %get3A_145 = arith.constant 768 : index
      %get3A_146 = arith.constant 0 : index
      %get3A_147 = vector.load %arg16[%get3A_145, %get3A_146] : memref<2048x128xf32, #tpu.memory_space<vmem>>, vector<128x128xf32>
      %dot_general3A_148 = arith.constant dense<0.000000e+00> : vector<1024x128xf32>
      %dot_general3A_149 = tpu.matmul %convert_element_type3A_144, %get3A_147, %dot_general3A_148 {dimension_numbers = #tpu.dot_dimension_numbers<[0], [0], [1], [1], [0, 1, 1, 1], [], []>, transpose_lhs_hint = false} : vector<128x1024xf32>, vector<128x128xf32>, vector<1024x128xf32> -> vector<1024x128xf32>
      %add3A_150 = arith.addf %add3A_136, %dot_general3A_149 : vector<1024x128xf32>
      %get3A_151 = arith.constant 896 : index
      %get3A_152 = arith.constant 0 : index
      %get3A_153 = vector.load %arg12[%get3A_151, %get3A_152] : memref<2048x1xi32, #tpu.memory_space<vmem>>, vector<128x1xi32>
      %eq3A_154 = vector.broadcast %get3A_153 : vector<128x1xi32> to vector<128x1024xi32>
      %eq3A_155 = vector.broadcast %iota3A_49 : vector<1x1024xi32> to vector<128x1024xi32>
      %eq3A_156 = arith.cmpi eq, %eq3A_154, %eq3A_155 : vector<128x1024xi32>
      %convert_element_type3A_157 = arith.extui %eq3A_156 : vector<128x1024xi1> to vector<128x1024xi32>
      %convert_element_type3A_158 = arith.sitofp %convert_element_type3A_157 : vector<128x1024xi32> to vector<128x1024xf32>
      %get3A_159 = arith.constant 896 : index
      %get3A_160 = arith.constant 0 : index
      %get3A_161 = vector.load %arg16[%get3A_159, %get3A_160] : memref<2048x128xf32, #tpu.memory_space<vmem>>, vector<128x128xf32>
      %dot_general3A_162 = arith.constant dense<0.000000e+00> : vector<1024x128xf32>
      %dot_general3A_163 = tpu.matmul %convert_element_type3A_158, %get3A_161, %dot_general3A_162 {dimension_numbers = #tpu.dot_dimension_numbers<[0], [0], [1], [1], [0, 1, 1, 1], [], []>, transpose_lhs_hint = false} : vector<128x1024xf32>, vector<128x128xf32>, vector<1024x128xf32> -> vector<1024x128xf32>
      %add3A_164 = arith.addf %add3A_150, %dot_general3A_163 : vector<1024x128xf32>
      %get3A_165 = arith.constant 1024 : index
      %get3A_166 = arith.constant 0 : index
      %get3A_167 = vector.load %arg12[%get3A_165, %get3A_166] : memref<2048x1xi32, #tpu.memory_space<vmem>>, vector<128x1xi32>
      %eq3A_168 = vector.broadcast %get3A_167 : vector<128x1xi32> to vector<128x1024xi32>
      %eq3A_169 = vector.broadcast %iota3A_49 : vector<1x1024xi32> to vector<128x1024xi32>
      %eq3A_170 = arith.cmpi eq, %eq3A_168, %eq3A_169 : vector<128x1024xi32>
      %convert_element_type3A_171 = arith.extui %eq3A_170 : vector<128x1024xi1> to vector<128x1024xi32>
      %convert_element_type3A_172 = arith.sitofp %convert_element_type3A_171 : vector<128x1024xi32> to vector<128x1024xf32>
      %get3A_173 = arith.constant 1024 : index
      %get3A_174 = arith.constant 0 : index
      %get3A_175 = vector.load %arg16[%get3A_173, %get3A_174] : memref<2048x128xf32, #tpu.memory_space<vmem>>, vector<128x128xf32>
      %dot_general3A_176 = arith.constant dense<0.000000e+00> : vector<1024x128xf32>
      %dot_general3A_177 = tpu.matmul %convert_element_type3A_172, %get3A_175, %dot_general3A_176 {dimension_numbers = #tpu.dot_dimension_numbers<[0], [0], [1], [1], [0, 1, 1, 1], [], []>, transpose_lhs_hint = false} : vector<128x1024xf32>, vector<128x128xf32>, vector<1024x128xf32> -> vector<1024x128xf32>
      %add3A_178 = arith.addf %add3A_164, %dot_general3A_177 : vector<1024x128xf32>
      %get3A_179 = arith.constant 1152 : index
      %get3A_180 = arith.constant 0 : index
      %get3A_181 = vector.load %arg12[%get3A_179, %get3A_180] : memref<2048x1xi32, #tpu.memory_space<vmem>>, vector<128x1xi32>
      %eq3A_182 = vector.broadcast %get3A_181 : vector<128x1xi32> to vector<128x1024xi32>
      %eq3A_183 = vector.broadcast %iota3A_49 : vector<1x1024xi32> to vector<128x1024xi32>
      %eq3A_184 = arith.cmpi eq, %eq3A_182, %eq3A_183 : vector<128x1024xi32>
      %convert_element_type3A_185 = arith.extui %eq3A_184 : vector<128x1024xi1> to vector<128x1024xi32>
      %convert_element_type3A_186 = arith.sitofp %convert_element_type3A_185 : vector<128x1024xi32> to vector<128x1024xf32>
      %get3A_187 = arith.constant 1152 : index
      %get3A_188 = arith.constant 0 : index
      %get3A_189 = vector.load %arg16[%get3A_187, %get3A_188] : memref<2048x128xf32, #tpu.memory_space<vmem>>, vector<128x128xf32>
      %dot_general3A_190 = arith.constant dense<0.000000e+00> : vector<1024x128xf32>
      %dot_general3A_191 = tpu.matmul %convert_element_type3A_186, %get3A_189, %dot_general3A_190 {dimension_numbers = #tpu.dot_dimension_numbers<[0], [0], [1], [1], [0, 1, 1, 1], [], []>, transpose_lhs_hint = false} : vector<128x1024xf32>, vector<128x128xf32>, vector<1024x128xf32> -> vector<1024x128xf32>
      %add3A_192 = arith.addf %add3A_178, %dot_general3A_191 : vector<1024x128xf32>
      %get3A_193 = arith.constant 1280 : index
      %get3A_194 = arith.constant 0 : index
      %get3A_195 = vector.load %arg12[%get3A_193, %get3A_194] : memref<2048x1xi32, #tpu.memory_space<vmem>>, vector<128x1xi32>
      %eq3A_196 = vector.broadcast %get3A_195 : vector<128x1xi32> to vector<128x1024xi32>
      %eq3A_197 = vector.broadcast %iota3A_49 : vector<1x1024xi32> to vector<128x1024xi32>
      %eq3A_198 = arith.cmpi eq, %eq3A_196, %eq3A_197 : vector<128x1024xi32>
      %convert_element_type3A_199 = arith.extui %eq3A_198 : vector<128x1024xi1> to vector<128x1024xi32>
      %convert_element_type3A_200 = arith.sitofp %convert_element_type3A_199 : vector<128x1024xi32> to vector<128x1024xf32>
      %get3A_201 = arith.constant 1280 : index
      %get3A_202 = arith.constant 0 : index
      %get3A_203 = vector.load %arg16[%get3A_201, %get3A_202] : memref<2048x128xf32, #tpu.memory_space<vmem>>, vector<128x128xf32>
      %dot_general3A_204 = arith.constant dense<0.000000e+00> : vector<1024x128xf32>
      %dot_general3A_205 = tpu.matmul %convert_element_type3A_200, %get3A_203, %dot_general3A_204 {dimension_numbers = #tpu.dot_dimension_numbers<[0], [0], [1], [1], [0, 1, 1, 1], [], []>, transpose_lhs_hint = false} : vector<128x1024xf32>, vector<128x128xf32>, vector<1024x128xf32> -> vector<1024x128xf32>
      %add3A_206 = arith.addf %add3A_192, %dot_general3A_205 : vector<1024x128xf32>
      %get3A_207 = arith.constant 1408 : index
      %get3A_208 = arith.constant 0 : index
      %get3A_209 = vector.load %arg12[%get3A_207, %get3A_208] : memref<2048x1xi32, #tpu.memory_space<vmem>>, vector<128x1xi32>
      %eq3A_210 = vector.broadcast %get3A_209 : vector<128x1xi32> to vector<128x1024xi32>
      %eq3A_211 = vector.broadcast %iota3A_49 : vector<1x1024xi32> to vector<128x1024xi32>
      %eq3A_212 = arith.cmpi eq, %eq3A_210, %eq3A_211 : vector<128x1024xi32>
      %convert_element_type3A_213 = arith.extui %eq3A_212 : vector<128x1024xi1> to vector<128x1024xi32>
      %convert_element_type3A_214 = arith.sitofp %convert_element_type3A_213 : vector<128x1024xi32> to vector<128x1024xf32>
      %get3A_215 = arith.constant 1408 : index
      %get3A_216 = arith.constant 0 : index
      %get3A_217 = vector.load %arg16[%get3A_215, %get3A_216] : memref<2048x128xf32, #tpu.memory_space<vmem>>, vector<128x128xf32>
      %dot_general3A_218 = arith.constant dense<0.000000e+00> : vector<1024x128xf32>
      %dot_general3A_219 = tpu.matmul %convert_element_type3A_214, %get3A_217, %dot_general3A_218 {dimension_numbers = #tpu.dot_dimension_numbers<[0], [0], [1], [1], [0, 1, 1, 1], [], []>, transpose_lhs_hint = false} : vector<128x1024xf32>, vector<128x128xf32>, vector<1024x128xf32> -> vector<1024x128xf32>
      %add3A_220 = arith.addf %add3A_206, %dot_general3A_219 : vector<1024x128xf32>
      %get3A_221 = arith.constant 1536 : index
      %get3A_222 = arith.constant 0 : index
      %get3A_223 = vector.load %arg12[%get3A_221, %get3A_222] : memref<2048x1xi32, #tpu.memory_space<vmem>>, vector<128x1xi32>
      %eq3A_224 = vector.broadcast %get3A_223 : vector<128x1xi32> to vector<128x1024xi32>
      %eq3A_225 = vector.broadcast %iota3A_49 : vector<1x1024xi32> to vector<128x1024xi32>
      %eq3A_226 = arith.cmpi eq, %eq3A_224, %eq3A_225 : vector<128x1024xi32>
      %convert_element_type3A_227 = arith.extui %eq3A_226 : vector<128x1024xi1> to vector<128x1024xi32>
      %convert_element_type3A_228 = arith.sitofp %convert_element_type3A_227 : vector<128x1024xi32> to vector<128x1024xf32>
      %get3A_229 = arith.constant 1536 : index
      %get3A_230 = arith.constant 0 : index
      %get3A_231 = vector.load %arg16[%get3A_229, %get3A_230] : memref<2048x128xf32, #tpu.memory_space<vmem>>, vector<128x128xf32>
      %dot_general3A_232 = arith.constant dense<0.000000e+00> : vector<1024x128xf32>
      %dot_general3A_233 = tpu.matmul %convert_element_type3A_228, %get3A_231, %dot_general3A_232 {dimension_numbers = #tpu.dot_dimension_numbers<[0], [0], [1], [1], [0, 1, 1, 1], [], []>, transpose_lhs_hint = false} : vector<128x1024xf32>, vector<128x128xf32>, vector<1024x128xf32> -> vector<1024x128xf32>
      %add3A_234 = arith.addf %add3A_220, %dot_general3A_233 : vector<1024x128xf32>
      %get3A_235 = arith.constant 1664 : index
      %get3A_236 = arith.constant 0 : index
      %get3A_237 = vector.load %arg12[%get3A_235, %get3A_236] : memref<2048x1xi32, #tpu.memory_space<vmem>>, vector<128x1xi32>
      %eq3A_238 = vector.broadcast %get3A_237 : vector<128x1xi32> to vector<128x1024xi32>
      %eq3A_239 = vector.broadcast %iota3A_49 : vector<1x1024xi32> to vector<128x1024xi32>
      %eq3A_240 = arith.cmpi eq, %eq3A_238, %eq3A_239 : vector<128x1024xi32>
      %convert_element_type3A_241 = arith.extui %eq3A_240 : vector<128x1024xi1> to vector<128x1024xi32>
      %convert_element_type3A_242 = arith.sitofp %convert_element_type3A_241 : vector<128x1024xi32> to vector<128x1024xf32>
      %get3A_243 = arith.constant 1664 : index
      %get3A_244 = arith.constant 0 : index
      %get3A_245 = vector.load %arg16[%get3A_243, %get3A_244] : memref<2048x128xf32, #tpu.memory_space<vmem>>, vector<128x128xf32>
      %dot_general3A_246 = arith.constant dense<0.000000e+00> : vector<1024x128xf32>
      %dot_general3A_247 = tpu.matmul %convert_element_type3A_242, %get3A_245, %dot_general3A_246 {dimension_numbers = #tpu.dot_dimension_numbers<[0], [0], [1], [1], [0, 1, 1, 1], [], []>, transpose_lhs_hint = false} : vector<128x1024xf32>, vector<128x128xf32>, vector<1024x128xf32> -> vector<1024x128xf32>
      %add3A_248 = arith.addf %add3A_234, %dot_general3A_247 : vector<1024x128xf32>
      %get3A_249 = arith.constant 1792 : index
      %get3A_250 = arith.constant 0 : index
      %get3A_251 = vector.load %arg12[%get3A_249, %get3A_250] : memref<2048x1xi32, #tpu.memory_space<vmem>>, vector<128x1xi32>
      %eq3A_252 = vector.broadcast %get3A_251 : vector<128x1xi32> to vector<128x1024xi32>
      %eq3A_253 = vector.broadcast %iota3A_49 : vector<1x1024xi32> to vector<128x1024xi32>
      %eq3A_254 = arith.cmpi eq, %eq3A_252, %eq3A_253 : vector<128x1024xi32>
      %convert_element_type3A_255 = arith.extui %eq3A_254 : vector<128x1024xi1> to vector<128x1024xi32>
      %convert_element_type3A_256 = arith.sitofp %convert_element_type3A_255 : vector<128x1024xi32> to vector<128x1024xf32>
      %get3A_257 = arith.constant 1792 : index
      %get3A_258 = arith.constant 0 : index
      %get3A_259 = vector.load %arg16[%get3A_257, %get3A_258] : memref<2048x128xf32, #tpu.memory_space<vmem>>, vector<128x128xf32>
      %dot_general3A_260 = arith.constant dense<0.000000e+00> : vector<1024x128xf32>
      %dot_general3A_261 = tpu.matmul %convert_element_type3A_256, %get3A_259, %dot_general3A_260 {dimension_numbers = #tpu.dot_dimension_numbers<[0], [0], [1], [1], [0, 1, 1, 1], [], []>, transpose_lhs_hint = false} : vector<128x1024xf32>, vector<128x128xf32>, vector<1024x128xf32> -> vector<1024x128xf32>
      %add3A_262 = arith.addf %add3A_248, %dot_general3A_261 : vector<1024x128xf32>
      %get3A_263 = arith.constant 1920 : index
      %get3A_264 = arith.constant 0 : index
      %get3A_265 = vector.load %arg12[%get3A_263, %get3A_264] : memref<2048x1xi32, #tpu.memory_space<vmem>>, vector<128x1xi32>
      %eq3A_266 = vector.broadcast %get3A_265 : vector<128x1xi32> to vector<128x1024xi32>
      %eq3A_267 = vector.broadcast %iota3A_49 : vector<1x1024xi32> to vector<128x1024xi32>
      %eq3A_268 = arith.cmpi eq, %eq3A_266, %eq3A_267 : vector<128x1024xi32>
      %convert_element_type3A_269 = arith.extui %eq3A_268 : vector<128x1024xi1> to vector<128x1024xi32>
      %convert_element_type3A_270 = arith.sitofp %convert_element_type3A_269 : vector<128x1024xi32> to vector<128x1024xf32>
      %get3A_271 = arith.constant 1920 : index
      %get3A_272 = arith.constant 0 : index
      %get3A_273 = vector.load %arg16[%get3A_271, %get3A_272] : memref<2048x128xf32, #tpu.memory_space<vmem>>, vector<128x128xf32>
      %dot_general3A_274 = arith.constant dense<0.000000e+00> : vector<1024x128xf32>
      %dot_general3A_275 = tpu.matmul %convert_element_type3A_270, %get3A_273, %dot_general3A_274 {dimension_numbers = #tpu.dot_dimension_numbers<[0], [0], [1], [1], [0, 1, 1, 1], [], []>, transpose_lhs_hint = false} : vector<128x1024xf32>, vector<128x128xf32>, vector<1024x128xf32> -> vector<1024x128xf32>
      %add3A_276 = arith.addf %add3A_262, %dot_general3A_275 : vector<1024x128xf32>
      %tanh3A = math.tanh %add3A_276 : vector<1024x128xf32>
      %get3A_277 = arith.constant 0 : index
      %get3A_278 = arith.constant 0 : index
      %get3A_279 = vector.load %arg10[%get3A_277, %get3A_278] : memref<128x256xf32, #tpu.memory_space<vmem>>, vector<128x256xf32>
      %dot_general3A_280 = arith.constant dense<0.000000e+00> : vector<1024x256xf32>
      %dot_general3A_281 = tpu.matmul %tanh3A, %get3A_279, %dot_general3A_280 {dimension_numbers = #tpu.dot_dimension_numbers<[1], [0], [0], [1], [0, 0, 1, 1], [], []>, transpose_lhs_hint = false} : vector<1024x128xf32>, vector<128x256xf32>, vector<1024x256xf32> -> vector<1024x256xf32>
      %get3A_282 = arith.constant 0 : index
      %get3A_283 = arith.constant 0 : index
      %get3A_284 = vector.load %arg11[%get3A_282, %get3A_283] : memref<1x256xf32, #tpu.memory_space<vmem>>, vector<1x256xf32>
      %add3A_285 = vector.broadcast %get3A_284 : vector<1x256xf32> to vector<1024x256xf32>
      %add3A_286 = arith.addf %dot_general3A_281, %add3A_285 : vector<1024x256xf32>
      %iota3A_287 = tpu.iota {dimensions = array<i32: 1>} : vector<1024x256xi32>
      %jit3A_288 = arith.constant 32 : i32
      %div3A = vector.broadcast %jit3A_288 : i32 to vector<1024x256xi32>
      %div3A_289 = arith.divsi %iota3A_287, %div3A : vector<1024x256xi32>
      %sign3A = arith.constant 0 : i32
      %sign3A_290 = vector.broadcast %sign3A : i32 to vector<1024x256xi32>
      %sign3A_291 = arith.cmpi sgt, %iota3A_287, %sign3A_290 : vector<1024x256xi32>
      %sign3A_292 = arith.extui %sign3A_291 : vector<1024x256xi1> to vector<1024x256xi32>
      %sign3A_293 = arith.constant 0 : i32
      %sign3A_294 = vector.broadcast %sign3A_293 : i32 to vector<1024x256xi32>
      %sign3A_295 = arith.cmpi slt, %iota3A_287, %sign3A_294 : vector<1024x256xi32>
      %sign3A_296 = arith.extui %sign3A_295 : vector<1024x256xi1> to vector<1024x256xi32>
      %sign3A_297 = arith.subi %sign3A_292, %sign3A_296 : vector<1024x256xi32>
      %sign3A_298 = arith.constant 0 : i32
      %sign3A_299 = arith.cmpi sgt, %jit3A_288, %sign3A_298 : i32
      %sign3A_300 = arith.extui %sign3A_299 : i1 to i32
      %sign3A_301 = arith.constant 0 : i32
      %sign3A_302 = arith.cmpi slt, %jit3A_288, %sign3A_301 : i32
      %sign3A_303 = arith.extui %sign3A_302 : i1 to i32
      %sign3A_304 = arith.subi %sign3A_300, %sign3A_303 : i32
      %ne3A = vector.broadcast %sign3A_304 : i32 to vector<1024x256xi32>
      %ne3A_305 = arith.cmpi ne, %sign3A_297, %ne3A : vector<1024x256xi32>
      %rem3A = vector.broadcast %jit3A_288 : i32 to vector<1024x256xi32>
      %rem3A_306 = arith.remsi %iota3A_287, %rem3A : vector<1024x256xi32>
      %ne3A_307 = arith.constant 0 : i32
      %ne3A_308 = vector.broadcast %ne3A_307 : i32 to vector<1024x256xi32>
      %ne3A_309 = arith.cmpi ne, %rem3A_306, %ne3A_308 : vector<1024x256xi32>
      %and3A_310 = arith.andi %ne3A_305, %ne3A_309 : vector<1024x256xi1>
      %sub3A = arith.constant 1 : i32
      %sub3A_311 = vector.broadcast %sub3A : i32 to vector<1024x256xi32>
      %sub3A_312 = arith.subi %div3A_289, %sub3A_311 : vector<1024x256xi32>
      %select_n3A_313 = arith.select %and3A_310, %sub3A_312, %div3A_289 : vector<1024x256xi1>, vector<1024x256xi32>
      %get3A_314 = arith.constant 0 : index
      %get3A_315 = arith.constant 0 : index
      %get3A_316 = vector.load %arg14[%get3A_314, %get3A_315] : memref<1024x1xi32, #tpu.memory_space<vmem>>, vector<1024x1xi32>
      %eq3A_317 = vector.broadcast %get3A_316 : vector<1024x1xi32> to vector<1024x256xi32>
      %eq3A_318 = arith.cmpi eq, %select_n3A_313, %eq3A_317 : vector<1024x256xi32>
      %jit3A_319 = arith.constant 0.000000e+00 : f32
      %broadcast_in_dim3A_320 = vector.broadcast %jit3A_319 : f32 to vector<1024x256xf32>
      %select_n3A_321 = arith.select %eq3A_318, %add3A_286, %broadcast_in_dim3A_320 : vector<1024x256xi1>, vector<1024x256xf32>
      %iota3A_322 = tpu.iota {dimensions = array<i32: 0>} : vector<256x32xi32>
      %jit3A_323 = arith.constant 32 : i32
      %eq3A_324 = arith.constant 0 : i32
      %eq3A_325 = arith.cmpi eq, %jit3A_323, %eq3A_324 : i32
      %jit3A_326 = arith.constant 1 : i32
      %select_n3A_327 = arith.select %eq3A_325, %jit3A_326, %jit3A_323 : i32
      %rem3A_328 = vector.broadcast %select_n3A_327 : i32 to vector<256x32xi32>
      %rem3A_329 = arith.remsi %iota3A_322, %rem3A_328 : vector<256x32xi32>
      %ne3A_330 = arith.constant 0 : i32
      %ne3A_331 = vector.broadcast %ne3A_330 : i32 to vector<256x32xi32>
      %ne3A_332 = arith.cmpi ne, %rem3A_329, %ne3A_331 : vector<256x32xi32>
      %lt3A_333 = arith.constant 0 : i32
      %lt3A_334 = vector.broadcast %lt3A_333 : i32 to vector<256x32xi32>
      %lt3A_335 = arith.cmpi slt, %rem3A_329, %lt3A_334 : vector<256x32xi32>
      %lt3A_336 = arith.constant 0 : i32
      %lt3A_337 = arith.cmpi slt, %select_n3A_327, %lt3A_336 : i32
      %ne3A_338 = vector.broadcast %lt3A_337 : i1 to vector<256x32xi1>
      %ne3A_339 = vector.broadcast %ne3A_338 : vector<256x32xi1> to vector<256x32xi1>
      %ne3A_340 = arith.xori %lt3A_335, %ne3A_339 : vector<256x32xi1>
      %and3A_341 = arith.andi %ne3A_340, %ne3A_332 : vector<256x32xi1>
      %add3A_342 = vector.broadcast %select_n3A_327 : i32 to vector<256x32xi32>
      %add3A_343 = arith.addi %rem3A_329, %add3A_342 : vector<256x32xi32>
      %select_n3A_344 = arith.select %and3A_341, %add3A_343, %rem3A_329 : vector<256x32xi1>, vector<256x32xi32>
      %iota3A_345 = tpu.iota {dimensions = array<i32: 1>} : vector<256x32xi32>
      %eq3A_346 = arith.cmpi eq, %select_n3A_344, %iota3A_345 : vector<256x32xi32>
      %convert_element_type3A_347 = arith.extui %eq3A_346 : vector<256x32xi1> to vector<256x32xi32>
      %convert_element_type3A_348 = arith.sitofp %convert_element_type3A_347 : vector<256x32xi32> to vector<256x32xf32>
      %dot_general3A_349 = arith.constant dense<0.000000e+00> : vector<1024x32xf32>
      %dot_general3A_350 = tpu.matmul %select_n3A_321, %convert_element_type3A_348, %dot_general3A_349 {dimension_numbers = #tpu.dot_dimension_numbers<[1], [0], [0], [1], [0, 0, 1, 1], [], []>, transpose_lhs_hint = false} : vector<1024x256xf32>, vector<256x32xf32>, vector<1024x32xf32> -> vector<1024x32xf32>
      %swap3A_351 = arith.constant 0 : index
      %swap3A_352 = arith.constant 0 : index
      %swap3A_353 = vector.load %arg15[%swap3A_351, %swap3A_352] : memref<1024x32xf32, #tpu.memory_space<vmem>>, vector<1024x32xf32>
      tpu.vector_store %arg15[%swap3A_351, %swap3A_352], %dot_general3A_350 {strides = array<i32>} : memref<1024x32xf32, #tpu.memory_space<vmem>>, vector<1024x32xf32>,
    } else {
    }
    return
  }
  func.func @transform_0(%arg0: i32, %arg1: memref<128xi32, #tpu.memory_space<smem>>, %arg2: memref<128xi32, #tpu.memory_space<smem>>, %arg3: memref<128xi32, #tpu.memory_space<smem>>) -> (i32, i32) {
    %c0_i32 = arith.constant 0 : i32
    %c0_i32_0 = arith.constant 0 : i32
    %c0_i32_1 = arith.constant 0 : i32
    return %c0_i32, %c0_i32_0 : i32, i32
  }
  func.func @transform_1(%arg0: i32, %arg1: memref<128xi32, #tpu.memory_space<smem>>, %arg2: memref<128xi32, #tpu.memory_space<smem>>, %arg3: memref<128xi32, #tpu.memory_space<smem>>) -> (i32, i32) {
    %c0_i32 = arith.constant 0 : i32
    %c0_i32_0 = arith.constant 0 : i32
    %c0_i32_1 = arith.constant 0 : i32
    return %c0_i32, %c0_i32_0 : i32, i32
  }
  func.func @transform_2(%arg0: i32, %arg1: memref<128xi32, #tpu.memory_space<smem>>, %arg2: memref<128xi32, #tpu.memory_space<smem>>, %arg3: memref<128xi32, #tpu.memory_space<smem>>) -> (i32, i32, i32) {
    %c0_i32 = arith.constant 0 : i32
    %c0_i32_0 = arith.constant 0 : i32
    %c0_i32_1 = arith.constant 0 : i32
    %c0_i32_2 = arith.constant 0 : i32
    return %c0_i32, %c0_i32_0, %c0_i32_1 : i32, i32, i32
  }
  func.func @transform_3(%arg0: i32, %arg1: memref<128xi32, #tpu.memory_space<smem>>, %arg2: memref<128xi32, #tpu.memory_space<smem>>, %arg3: memref<128xi32, #tpu.memory_space<smem>>) -> (i32, i32) {
    %c0_i32 = arith.constant 0 : i32
    %c0_i32_0 = arith.constant 0 : i32
    %c0_i32_1 = arith.constant 0 : i32
    return %c0_i32, %c0_i32_0 : i32, i32
  }
  func.func @transform_4(%arg0: i32, %arg1: memref<128xi32, #tpu.memory_space<smem>>, %arg2: memref<128xi32, #tpu.memory_space<smem>>, %arg3: memref<128xi32, #tpu.memory_space<smem>>) -> (i32, i32, i32) {
    %c0_i32 = arith.constant 0 : i32
    %c0_i32_0 = arith.constant 0 : i32
    %c0_i32_1 = arith.constant 0 : i32
    %c0_i32_2 = arith.constant 0 : i32
    return %c0_i32, %c0_i32_0, %c0_i32_1 : i32, i32, i32
  }
  func.func @transform_5(%arg0: i32, %arg1: memref<128xi32, #tpu.memory_space<smem>>, %arg2: memref<128xi32, #tpu.memory_space<smem>>, %arg3: memref<128xi32, #tpu.memory_space<smem>>) -> (i32, i32) {
    %c0_i32 = arith.constant 0 : i32
    %c0_i32_0 = arith.constant 0 : i32
    %c0_i32_1 = arith.constant 0 : i32
    return %c0_i32, %c0_i32_0 : i32, i32
  }
  func.func @transform_6(%arg0: i32, %arg1: memref<128xi32, #tpu.memory_space<smem>>, %arg2: memref<128xi32, #tpu.memory_space<smem>>, %arg3: memref<128xi32, #tpu.memory_space<smem>>) -> (i32, i32) {
    %c0_i32 = arith.constant 0 : i32
    %c0_i32_0 = arith.constant 0 : i32
    %c0_i32_1 = arith.constant 0 : i32
    return %c0_i32, %c0_i32_0 : i32, i32
  }
  func.func @transform_7(%arg0: i32, %arg1: memref<128xi32, #tpu.memory_space<smem>>, %arg2: memref<128xi32, #tpu.memory_space<smem>>, %arg3: memref<128xi32, #tpu.memory_space<smem>>) -> (i32, i32) {
    %c0_i32 = arith.constant 0 : i32
    %c0_i32_0 = arith.constant 0 : i32
    %c0_i32_1 = arith.constant 0 : i32
    return %c0_i32, %c0_i32_0 : i32, i32
  }
  func.func @transform_8(%arg0: i32, %arg1: memref<128xi32, #tpu.memory_space<smem>>, %arg2: memref<128xi32, #tpu.memory_space<smem>>, %arg3: memref<128xi32, #tpu.memory_space<smem>>) -> (i32, i32) {
    %c0_i32 = arith.constant 0 : i32
    %c0_i32_0 = arith.constant 0 : i32
    %c0_i32_1 = arith.constant 0 : i32
    return %c0_i32, %c0_i32_0 : i32, i32
  }
  func.func @transform_9(%arg0: i32, %arg1: memref<128xi32, #tpu.memory_space<smem>>, %arg2: memref<128xi32, #tpu.memory_space<smem>>, %arg3: memref<128xi32, #tpu.memory_space<smem>>) -> (i32, i32) {
    %c0_i32 = arith.constant 0 : i32
    %c0_i32_0 = arith.constant 0 : i32
    %c0_i32_1 = arith.constant 0 : i32
    return %c0_i32, %c0_i32_0 : i32, i32
  }
  func.func @transform_10(%arg0: i32, %arg1: memref<128xi32, #tpu.memory_space<smem>>, %arg2: memref<128xi32, #tpu.memory_space<smem>>, %arg3: memref<128xi32, #tpu.memory_space<smem>>) -> (i32, i32) {
    %c0_i32 = arith.constant 0 : i32
    %c0_i32_0 = arith.constant 0 : i32
    %c0_i32_1 = arith.constant 0 : i32
    return %c0_i32, %c0_i32_0 : i32, i32
  }
  func.func @transform_11(%arg0: i32, %arg1: memref<128xi32, #tpu.memory_space<smem>>, %arg2: memref<128xi32, #tpu.memory_space<smem>>, %arg3: memref<128xi32, #tpu.memory_space<smem>>) -> (i32, i32) {
    %c0_i32 = arith.constant 0 : i32
    %c0_i32_0 = arith.constant 0 : i32
    %c0_i32_1 = arith.constant 0 : i32
    return %c0_i32, %c0_i32_0 : i32, i32
  }
}

</mosaic_0001>

<sc_bundles>
// kernel: kernel.5.cloned.1.call-start
scs
__scs_entry_jumppad:
0x0: {  	(pc) =	sbr.rel $0x88, $3  }
0x1: {  	(tag) =	ssettag $0x0;
	lr =	simm.s32 $0x1  }
0x2: {  	[smem:$0x3F99] =	sst lr;
	_ =	strace $0xD0000000  }
0x3: {  	_ = 	snop  }
0x4: {  	_ = 	snop  }
0x5: {  	_ = 	snop  }
0x6: {  	_ = 	snop  }
0x7: {  	_ = 	snop  }
__scs_overlays_trampoline_lowered:
0x8: {  	[smem:$0x3FA8] =	sst s0  }
0x9: {  	[smem:$0x3FA9] =	sst s1  }
0xa: {  	[smem:$0x3FAA] =	sst s2  }
0xb: {  	[smem:$0x3FAB] =	sst s3  }
0xc: {  	[smem:$0x3FAC] =	sst s4  }
0xd: {  	[smem:$0x3FAD] =	sst s5  }
0xe: {  	[smem:$0x3FAE] =	sst s6  }
0xf: {  	[smem:$0x3FAF] =	sst s7  }
0x10: {  	[smem:$0x3FB0] =	sst s8  }
0x11: {  	[smem:$0x3FB1] =	sst s9;
	s0 =	simm.s32 @!p0 $0x0  }
0x12: {  	s1 =	sld [smem:$0x3F97];
	s0 =	simm.s32 @p0 $0x1  }
0x13: {  	[smem:$0x3FB2] =	sst s0;
	s0 =	simm.s32 @!p1 $0x0  }
0x14: {  	s2 =	sld [smem:$0x3F96];
	s0 =	simm.s32 @p1 $0x1  }
0x15: {  	[smem:$0x3FB3] =	sst s0;
	s0 =	simm.s32 @!p2 $0x0  }
0x16: {  	s3 =	sld [smem:$0x3FDB];
	s0 =	simm.s32 @p2 $0x1  }
0x17: {  	s4 =	simm.s32 $0x1BF5;
	[smem:$0x3FB5] =	sst s0  }
0x18: {  	s0 =	sld [smem:$0x3F98];
	_ =	swait.ge [sflag:s4], $0x0  }
0x19: {  	s7 =	sld [smem:$0x3F99]  }
0x1a: {  	s8 =	sadd.s32 $0xFFFFE003, lr  }
0x1b: {  	s9 =	sadd.s32 $0xFFFFFEF7, lr;
	s5 =	simm.s32 $0xFFFFFFFF;
	p2 =	slt.u32 s8, $0xFFFFF086  }
0x1c: {  	p1 =	slt.u32 s9, $0xF7A;
	s5 =	simm.s32 @!p2 $0x0  }
0x1d: {  	s5 =	simm.s32 @p1 $0x1;
	p0 =	seq.s32 s7, s2  }
0x1e: {  	s7 =	smul.u32 @!p0 $0xF7A, s2;
	p2 =	seq.s32 @!p0 s5, $0x0  }
0x1f: {  	s9 =	smul.u32 $0xF7A, s1;
	s8 =	simm.s32 @!p0 $0x1BF5;
	p2 =	por !p2, p0  }
0x20: {  	[sflag:s8] =	ssyncset.s32 @!p0 $0xFFFFF086;
	s6 =	sadd.s32 @!p0 s3, s7;
	s7 =	simm.s32 @!p0 $0x108  }
0x21: {  	s3 =	sadd.s32 s3, s9;
	s6 =	sadd.s32 @!p0 $0x88, s6;
	s7 =	simm.s32 @p2 $0x1082  }
0x22: {  	[simem:s7], [sflag:s8] =	dma.local @!p0 [hbm:s6], $0xF7A  }
0x23: {  	s9 =	sor.u32 $0xD0000000, s2;
	s6 =	simm.s32 $0x108;
	_ =	swait.ge @!p0 [sflag:s8], $0x0  }
0x24: {  	s3 =	sadd.s32 $0x88, s3;
	s6 =	simm.s32 @!p1 $0x1082;
	[sflag:s4] =	ssyncset.s32 $0xFFFFF086  }
0x25: {  	[simem:s6], [sflag:s4] =	dma.local [hbm:s3], $0xF7A  }
0x26: {  	[smem:$0x3F99] =	sst s1;
	(tag) =	ssettag s2;
	_ =	strace s9  }
0x27: {  	s1 =	sld [smem:$0x3FA9]  }
0x28: {  	s2 =	sld [smem:$0x3FAA]  }
0x29: {  	s4 =	sld [smem:$0x3FAC]  }
0x2a: {  	p0 =	seq.s32 s5, $0x0;
	s5 =	sld [smem:$0x3FAD]  }
0x2b: {  	s6 =	sld [smem:$0x3FAE]  }
0x2c: {  	s7 =	sld [smem:$0x3FAF]  }
0x2d: {  	s3 =	simm.s32 $0x108;
	s8 =	sld [smem:$0x3FB0]  }
0x2e: {  	s3 =	simm.s32 @!p0 $0x1082;
	s9 =	sld [smem:$0x3FB1]  }
0x2f: {  	lr =	sadd.s32 s0, s3;
	s0 =	sld [smem:$0x3FA8]  }
0x30: {  	s3 =	sld [smem:$0x3FAB]  }
0x31: {  	[smem:$0x3FB4] =	sst s10  }
0x32: {  	s10 =	sld [smem:$0x3FB2];
	_ =	sdelay $0x3  }
0x33: {  	p0 =	seq.s32 s10, $0x1;
	s10 =	sld [smem:$0x3FB4];
	_ =	sdelay $0x3  }
0x34: {  	[smem:$0x3FB4] =	sst s10  }
0x35: {  	s10 =	sld [smem:$0x3FB3];
	_ =	sdelay $0x3  }
0x36: {  	p1 =	seq.s32 s10, $0x1;
	s10 =	sld [smem:$0x3FB4];
	_ =	sdelay $0x3  }
0x37: {  	[smem:$0x3FB4] =	sst s10  }
0x38: {  	s10 =	sld [smem:$0x3FB5]  }
0x39: {  	_ = 	snop;
	(pc) =	sbr.ind lr, $3  }
0x3a: {  	_ = 	snop  }
0x3b: {  	_ = 	snop  }
0x3c: {  	p2 =	seq.s32 s10, $0x1;
	s10 =	sld [smem:$0x3FB4]  }
0x3d: {  	_ =	shalt  }
0x3e: {  	_ =	shalt  }
0x3f: {  	_ =	shalt  }
0x40: {  	_ =	shalt  }
0x41: {  	_ =	shalt  }
0x42: {  	_ =	shalt  }
0x43: {  	_ =	shalt  }
0x44: {  	_ =	shalt  }
0x45: {  	_ =	shalt  }
0x46: {  	_ =	shalt  }
0x47: {  	_ =	shalt  }
0x48: {  	_ =	shalt  }
0x49: {  	_ =	shalt  }
0x4a: {  	_ =	shalt  }
0x4b: {  	_ =	shalt  }
0x4c: {  	_ =	shalt  }
0x4d: {  	_ =	shalt  }
0x4e: {  	_ =	shalt  }
0x4f: {  	_ =	shalt  }
0x50: {  	_ =	shalt  }
0x51: {  	_ =	shalt  }
0x52: {  	_ =	shalt  }
0x53: {  	_ =	shalt  }
0x54: {  	_ =	shalt  }
0x55: {  	_ =	shalt  }
0x56: {  	_ =	shalt  }
0x57: {  	_ =	shalt  }
0x58: {  	_ =	shalt  }
0x59: {  	_ =	shalt  }
0x5a: {  	_ =	shalt  }
0x5b: {  	_ =	shalt  }
0x5c: {  	_ =	shalt  }
0x5d: {  	_ =	shalt  }
0x5e: {  	_ =	shalt  }
0x5f: {  	_ =	shalt  }
0x60: {  	_ =	shalt  }
0x61: {  	_ =	shalt  }
0x62: {  	_ =	shalt  }
0x63: {  	_ =	shalt  }
0x64: {  	_ =	shalt  }
0x65: {  	_ =	shalt  }
0x66: {  	_ =	shalt  }
0x67: {  	_ =	shalt  }
0x68: {  	_ =	shalt  }
0x69: {  	_ =	shalt  }
0x6a: {  	_ =	shalt  }
0x6b: {  	_ =	shalt  }
0x6c: {  	_ =	shalt  }
0x6d: {  	_ =	shalt  }
0x6e: {  	_ =	shalt  }
0x6f: {  	_ =	shalt  }
0x70: {  	_ =	shalt  }
0x71: {  	_ =	shalt  }
0x72: {  	_ =	shalt  }
0x73: {  	_ =	shalt  }
0x74: {  	_ =	shalt  }
0x75: {  	_ =	shalt  }
0x76: {  	_ =	shalt  }
0x77: {  	_ =	shalt  }
0x78: {  	_ =	shalt  }
0x79: {  	_ =	shalt  }
0x7a: {  	_ =	shalt  }
0x7b: {  	_ =	shalt  }
0x7c: {  	_ =	shalt  }
0x7d: {  	_ =	shalt  }
0x7e: {  	_ =	shalt  }
0x7f: {  	_ =	shalt  }
0x80: {  	_ =	shalt  }
0x81: {  	_ =	shalt  }
0x82: {  	_ =	shalt  }
0x83: {  	_ =	shalt  }
0x84: {  	_ =	shalt  }
0x85: {  	_ =	shalt  }
0x86: {  	_ =	shalt  }
0x87: {  	_ =	shalt  }
.Lfunc_end0:
.L_simem_size_0:
called_computation_lowered:
.L_overlay_start_0:
0x88: {  	s2 =	sld [smem:$0x3FD9]  }
0x89: {  	s3 =	sld [smem:$0x3FFE];
	_ =	sdelay $0x1  }
0x8a: {  	s1 =	srdreg.scid  }
0x8b: {  	s0 =	sand.u32 $0x1, s1  }
0x8c: {  	s17 =	sshll.u32 s0, $0xA;
	s2 =	sadd.s32 s3, s2  }
0x8d: {  	s2 =	sadd.s32 s2, s17  }
0x8e: {  	[smem:$0x3FC0] =	sst s2  }
0x8f: {  	_ = 	snop  }
0x90: {  	s2 =	sld [smem:$0x3FD0];
	(tm) =	ssettm $0x1  }
0x91: {  	s18 =	sld [smem:$0x3FFB];
	_ =	sdelay $0x3  }
0x92: {  	_ =	strace s18  }
0x93: {  	s3 =	sld [smem:$0x3FFC];
	_ =	sdelay $0x3  }
0x94: {  	_ =	strace s3  }
0x95: {  	s3 =	sld [smem:$0x3FFD];
	_ =	sdelay $0x3  }
0x96: {  	_ =	strace s3  }
0x97: {  	_ =	strace $0x8FFFFFFF  }
0x98: {  	s19 =	sld [smem:$0x3FDB];
	_ =	sdelay $0x1  }
0x99: {  	s4 =	simm.s32 $_scs_section_size  }
0x9a: {  	s5 =	simm.s32 $_size__tile_overlayer_lowered;
	s6 =	simm.s32 $_tile_overlayer_lowered  }
0x9b: {  	s22 =	simm.s32 $0x1BFF;
	s21 =	sshll.u32 s6, $0x1;
	s3 =	sadd.s32 s4, s19  }
0x9c: {  	s7 =	simm.s32 $0x0;
	s20 =	sshll.u32 s5, $0x1;
	s5 =	sadd.s32 s21, s3  }
0x9d: {  	[timem:s7], [sflag:s22] =	dma.local [hbm:s5], s20  }
0x9e: {  	_ =	swait.ge [sflag:s22], s20  }
0x9f: {  	s4 =	ssub.s32 $0x0, s20;
	[sflag:s22] =	ssyncset.done $0x0  }
0xa0: {  	[sflag:s22] =	ssyncadd.s32 s4;
	_ =	sdelay $0x1  }
0xa1: {  	s23 =	simm.s32 $0x1B8B  }
0xa2: {  	_ =	swait.ge [sflag:s23], $0x1  }
0xa3: {  	[sflag:s23] =	ssyncset.done $0x0  }
0xa4: {  	s25 =	simm.s32 $0x1B8E;
	s24 =	sld [smem:$0x3FFE];
	[sflag:s23] =	ssyncadd.s32 $0xFFFFFFFF  }
0xa5: {  	s26 =	simm.s32 $execute0_lowered;
	[smem:$0x3FD2] =	sst s25  }
0xa6: {  	s5 =	sshll.u32 s26, $0x1;
	_ =	strace $0x80000046;
	[dreg:$0x1] =	wrdreg $0xFFFFFFFF  }
0xa7: {  	s28 =	simm.s32 $_size_execute0_lowered;
	s3 =	sadd.s32 s3, s5;
	[dreg:$0x0] =	wrdreg $0x0  }
0xa8: {  	s5 =	sshll.u32 s28, $0x1;
	[dreg:$0x2] =	wrdreg s3  }
0xa9: {  	[dreg:$0x3] =	wrdreg s5  }
0xaa: {  	[dreg:$0x4] =	wrdreg $0xC0  }
0xab: {  	_ =	task [dreg:s7], $0x5FFFF  }
0xac: {  	[dreg:$0x1] =	wrdreg $0xFFFFFFFF  }
0xad: {  	[dreg:$0x0] =	wrdreg $0x60  }
0xae: {  	[dreg:$0x2] =	wrdreg s24  }
0xaf: {  	[dreg:$0x3] =	wrdreg s2  }
0xb0: {  	[dreg:$0x4] =	wrdreg $0x9  }
0xb1: {  	_ =	task.clear_ibuf [dreg:s7], $0x5FFFF;
	_ =	strace $0x90000046  }
0xb2: {  	s29 =	simm.s32 $0x9;
	_ =	strace $0x80000048  }
0xb3: {  	_ =	swait.ge [sflag:s29], $0x1  }
0xb4: {  	[sflag:s29] =	ssyncadd.s32 $0xFFFFFFFF  }
0xb5: {  	_ =	strace $0x90000048  }
0xb6: {  	_ =	sfence  }
0xb7: {  	s30 =	sld [smem:$0x0];
	_ =	sdelay $0x2  }
0xb8: {  	s31 =	sshll.u32 s1, $0xD;
	s1 =	sshrl.u32 s1, $0x2  }
0xb9: {  	s3 =	sand.u32 $0x4000, s31;
	s1 =	sadd.s32 s1, s30  }
0xba: {  	s0 =	sor.u32 s3, s0;
	s1 =	sshll.u32 s1, $0x11  }
0xbb: {  	s0 =	sor.u32 s1, s0  }
0xbc: {  	s0 =	sadd.s32 $0x8F2B, s0  }
0xbd: {  	[sflag:s0] =	ssyncadd.remote.s32 $0x1  }
0xbe: {  	_ =	sfence.sel $0xFFFF  }
0xbf: {  	[dreg:$0x0] =	wrdreg $0xFFFFFFFF;
	(pc) =	sbr.abs _section_cstart, $3  }
0xc0: {  	[dreg:$0x1] =	wrdreg $0xFFFFFFFF  }
0xc1: {  	_ =	task.clear_ibuf [dreg:s7], $0x2FFFF;
	_ =	strace $0x9FFFFFFF  }
0xc2: {  	(tm) =	ssettm $0x7FFFFFFF  }
0xc3: {  	_ =	shalt  }
tec
execute0_lowered:
.L_overlay_start_1:
0x0: {  	(tag) =	ssettag $0x1  }
0x1: {  	s1 =	srdreg.scid  }
0x2: {  	s5 =	rddreg [dreg:$0x0];
	s0 =	stileid.u32  }
0x3: {  	s4 =	rddreg [dreg:$0x1];
	s2 =	simm.s32 $0x0;
	s26 =	simm.s32 $0x880  }
0x4: {  	s9 =	simm.s32 $0x1080;
	s10 =	simm.s32 $0x1880;
	s11 =	simm.s32 $0x2080  }
0x5: {  	s12 =	simm.s32 $0x2880;
	s13 =	simm.s32 $0x3080;
	s14 =	simm.s32 $0x3880  }
0x6: {  	s15 =	simm.s32 $0x4080;
	s16 =	simm.s32 $0x4880;
	s17 =	simm.s32 $0x5080  }
0x7: {  	s18 =	simm.s32 $0x5880;
	s19 =	simm.s32 $0x6080;
	s20 =	simm.s32 $0x6880  }
0x8: {  	s21 =	simm.s32 $0x7080;
	s22 =	simm.s32 $0x7880;
	s23 =	simm.s32 $0x8080  }
0x9: {  	s24 =	simm.s32 $0x8880;
	s28 =	simm.s32 $0xA080;
	s29 =	simm.s32 $0xA880  }
0xa: {  	s30 =	simm.s32 $0xB080;
	s31 =	simm.s32 $0xB880;
	s1 =	sand.u32 $0x1, s1  }
0xb: {  	s3 =	sshll.u32 s0, $0x4;
	[smem:$0x7FF] =	sst s2;
	s6 =	sshll.u32 s1, $0x3  }
0xc: {  	s1 =	ssub.s32 $0x2, s1;
	_ =	strace $0x80000047;
	[dreg:$0x5] =	wrdreg s26  }
0xd: {  	s26 =	simm.s32 $0x9880;
	s6 =	sor.u32 s6, s3;
	s3 =	sadd.s32 $0x1A00, s5  }
0xe: {  	s8 =	sshrl.u32 s1, $0x1;
	s7 =	smul.u32 $0x300, s6;
	s4 =	sadd.s32 s4, s6  }
0xf: {  	s1 =	ssub.s32 s1, s8;
	s8 =	simm.s32 $0x80;
	[dreg:$0x3] =	wrdreg s4  }
0x10: {  	v2 =	vlaneseq.u32;
	s4 =	sadd.s32 $0x1B00, s5;
	s6 =	smax.u32 s1, $0x1;
	s7 =	sadd.s32 s7, s5  }
0x11: {  	vm0 =	vmmov $0xffff;
	v1 =	vshrl.u32 v2, $0x3;
	s1 =	simm.s32 $0x1;
	s5 =	sadd.s32 $0x1C00, s5;
	s25 =	sadd.s32 $0x19A00, s7  }
0x12: {  	v0 =	vand.u32 $0x7, v2;
	v2 =	vor.u32 $0x8, v2;
	v1 =	vmul.u32 $0x8, v1;
	s7 =	simm.s32 $0x2;
	[dreg:$0x4] =	wrdreg s25;
	s25 =	simm.s32 $0x9080  }
.LBB2_1:
0x13: {  	s0 =	rddreg [dreg:$0x3]  }
0x14: {  	[tilespmem:s2], [sflag:$0x2] =	stream.linear.gather [hbm4b:s0+s2], $0x40, $0x38;
	[tilespmem:$0xC080] =	vst v63  }
0x15: {  	_ =	swait.ge [sflag:s7], $0x40  }
0x16: {  	[sflag:s7] =	ssyncset.done $0x0  }
0x17: {  	[sflag:s7] =	ssyncadd.s32 $0xFFFFFFC0  }
0x18: {  	v3 =	vld [tilespmem:$0x0];
	_ =	sdelay $0x4  }
0x19: {  	v4 =	vshrl.u32 v3, $0x3  }
0x1a: {  	v4 =	vmul.u32 $0x30, v4  }
0x1b: {  	v3 =	vand.u32 $0x7, v3  }
0x1c: {  	v3 =	vor.u32 v3, v4  }
0x1d: {  	v4 =	vperm.xlane v3, v0;
	_ =	sdelay $0x1  }
0x1e: {  	v4 =	vadd.s32 v1, v4;
	_ =	sdelay $0x3  }
0x1f: {  	v3 =	vperm.xlane v3, v2  }
0x20: {  	[tilespmem:s8], [sflag:$0x1] =	stream.indirect_vreg.gather [hbm4b:s3+s2], $0x80, v4, vm0, $0xb8;
	[tilespmem:$0xC080] =	vst v63  }
0x21: {  	s0 =	rddreg [dreg:$0x5];
	v3 =	vadd.s32 v1, v3  }
0x22: {  	[tilespmem:s0], [sflag:$0x1] =	stream.indirect_vreg.gather [hbm4b:s4+s2], $0x80, v4, vm0, $0xb8;
	[tilespmem:$0xC080] =	vst v63  }
0x23: {  	_ = 	snop  }
0x24: {  	[tilespmem:s9], [sflag:$0x1] =	stream.indirect_vreg.gather [hbm4b:s5+s2], $0x80, v4, vm0, $0xb8;
	[tilespmem:$0xC080] =	vst v63  }
0x25: {  	_ = 	snop  }
0x26: {  	[tilespmem:s10], [sflag:$0x1] =	stream.indirect_vreg.gather [hbm4b:s3+s2], $0x80, v3, vm0, $0xb8;
	[tilespmem:$0xC080] =	vst v63  }
0x27: {  	_ = 	snop  }
0x28: {  	[tilespmem:s11], [sflag:$0x1] =	stream.indirect_vreg.gather [hbm4b:s4+s2], $0x80, v3, vm0, $0xb8;
	[tilespmem:$0xC080] =	vst v63  }
0x29: {  	_ = 	snop  }
0x2a: {  	[tilespmem:s12], [sflag:$0x1] =	stream.indirect_vreg.gather [hbm4b:s5+s2], $0x80, v3, vm0, $0xb8;
	[tilespmem:$0xC080] =	vst v63  }
0x2b: {  	v3 =	vld [tilespmem:$0x10];
	_ =	sdelay $0x4  }
0x2c: {  	v61 =	vshrl.u32 v3, $0x3  }
0x2d: {  	v4 =	vmul.u32 $0x30, v61  }
0x2e: {  	v3 =	vand.u32 $0x7, v3  }
0x2f: {  	v3 =	vor.u32 v3, v4  }
0x30: {  	v4 =	vperm.xlane v3, v0;
	_ =	sdelay $0x1  }
0x31: {  	v4 =	vadd.s32 v1, v4;
	_ =	sdelay $0x3  }
0x32: {  	v3 =	vperm.xlane v3, v2  }
0x33: {  	[tilespmem:s13], [sflag:$0x1] =	stream.indirect_vreg.gather [hbm4b:s3+s2], $0x80, v4, vm0, $0xb8;
	[tilespmem:$0xC080] =	vst v63  }
0x34: {  	v3 =	vadd.s32 v1, v3  }
0x35: {  	[tilespmem:s14], [sflag:$0x1] =	stream.indirect_vreg.gather [hbm4b:s4+s2], $0x80, v4, vm0, $0xb8;
	[tilespmem:$0xC080] =	vst v63  }
0x36: {  	_ = 	snop  }
0x37: {  	[tilespmem:s15], [sflag:$0x1] =	stream.indirect_vreg.gather [hbm4b:s5+s2], $0x80, v4, vm0, $0xb8;
	[tilespmem:$0xC080] =	vst v63  }
0x38: {  	_ = 	snop  }
0x39: {  	[tilespmem:s16], [sflag:$0x1] =	stream.indirect_vreg.gather [hbm4b:s3+s2], $0x80, v3, vm0, $0xb8;
	[tilespmem:$0xC080] =	vst v63  }
0x3a: {  	_ = 	snop  }
0x3b: {  	[tilespmem:s17], [sflag:$0x1] =	stream.indirect_vreg.gather [hbm4b:s4+s2], $0x80, v3, vm0, $0xb8;
	[tilespmem:$0xC080] =	vst v63  }
0x3c: {  	_ = 	snop  }
0x3d: {  	[tilespmem:s18], [sflag:$0x1] =	stream.indirect_vreg.gather [hbm4b:s5+s2], $0x80, v3, vm0, $0xb8;
	[tilespmem:$0xC080] =	vst v63  }
0x3e: {  	v3 =	vld [tilespmem:$0x20];
	_ =	sdelay $0x4  }
0x3f: {  	v62 =	vshrl.u32 v3, $0x3  }
0x40: {  	v4 =	vmul.u32 $0x30, v62  }
0x41: {  	v3 =	vand.u32 $0x7, v3  }
0x42: {  	v3 =	vor.u32 v3, v4  }
0x43: {  	v4 =	vperm.xlane v3, v0;
	_ =	sdelay $0x1  }
0x44: {  	v4 =	vadd.s32 v1, v4;
	_ =	sdelay $0x3  }
0x45: {  	v3 =	vperm.xlane v3, v2  }
0x46: {  	[tilespmem:s19], [sflag:$0x1] =	stream.indirect_vreg.gather [hbm4b:s3+s2], $0x80, v4, vm0, $0xb8;
	[tilespmem:$0xC080] =	vst v63  }
0x47: {  	v3 =	vadd.s32 v1, v3  }
0x48: {  	[tilespmem:s20], [sflag:$0x1] =	stream.indirect_vreg.gather [hbm4b:s4+s2], $0x80, v4, vm0, $0xb8;
	[tilespmem:$0xC080] =	vst v63  }
0x49: {  	_ = 	snop  }
0x4a: {  	[tilespmem:s21], [sflag:$0x1] =	stream.indirect_vreg.gather [hbm4b:s5+s2], $0x80, v4, vm0, $0xb8;
	[tilespmem:$0xC080] =	vst v63  }
0x4b: {  	_ = 	snop  }
0x4c: {  	[tilespmem:s22], [sflag:$0x1] =	stream.indirect_vreg.gather [hbm4b:s3+s2], $0x80, v3, vm0, $0xb8;
	[tilespmem:$0xC080] =	vst v63  }
0x4d: {  	_ = 	snop  }
0x4e: {  	[tilespmem:s23], [sflag:$0x1] =	stream.indirect_vreg.gather [hbm4b:s4+s2], $0x80, v3, vm0, $0xb8;
	[tilespmem:$0xC080] =	vst v63  }
0x4f: {  	_ = 	snop  }
0x50: {  	[tilespmem:s24], [sflag:$0x1] =	stream.indirect_vreg.gather [hbm4b:s5+s2], $0x80, v3, vm0, $0xb8;
	[tilespmem:$0xC080] =	vst v63  }
0x51: {  	v3 =	vld [tilespmem:$0x30];
	_ =	sdelay $0x4  }
0x52: {  	v63 =	vshrl.u32 v3, $0x3  }
0x53: {  	v4 =	vmul.u32 $0x30, v63  }
0x54: {  	v3 =	vand.u32 $0x7, v3  }
0x55: {  	v3 =	vor.u32 v3, v4  }
0x56: {  	v4 =	vperm.xlane v3, v0;
	_ =	sdelay $0x1  }
0x57: {  	v4 =	vadd.s32 v1, v4;
	_ =	sdelay $0x3  }
0x58: {  	v3 =	vperm.xlane v3, v2  }
0x59: {  	[tilespmem:s25], [sflag:$0x1] =	stream.indirect_vreg.gather [hbm4b:s3+s2], $0x80, v4, vm0, $0xb8;
	[tilespmem:$0xC080] =	vst v63  }
0x5a: {  	v3 =	vadd.s32 v1, v3  }
0x5b: {  	[tilespmem:s26], [sflag:$0x1] =	stream.indirect_vreg.gather [hbm4b:s4+s2], $0x80, v4, vm0, $0xb8;
	[tilespmem:$0xC080] =	vst v63  }
0x5c: {  	_ = 	snop  }
0x5d: {  	[tilespmem:s28], [sflag:$0x1] =	stream.indirect_vreg.gather [hbm4b:s5+s2], $0x80, v4, vm0, $0xb8;
	[tilespmem:$0xC080] =	vst v63  }
0x5e: {  	_ = 	snop  }
0x5f: {  	[tilespmem:s29], [sflag:$0x1] =	stream.indirect_vreg.gather [hbm4b:s3+s2], $0x80, v3, vm0, $0xb8;
	[tilespmem:$0xC080] =	vst v63  }
0x60: {  	_ = 	snop  }
0x61: {  	[tilespmem:s30], [sflag:$0x1] =	stream.indirect_vreg.gather [hbm4b:s4+s2], $0x80, v3, vm0, $0xb8;
	[tilespmem:$0xC080] =	vst v63  }
0x62: {  	_ = 	snop  }
0x63: {  	[tilespmem:s31], [sflag:$0x1] =	stream.indirect_vreg.gather [hbm4b:s5+s2], $0x80, v3, vm0, $0xb8;
	[tilespmem:$0xC080] =	vst v63  }
0x64: {  	_ =	swait.ge [sflag:s1], $0xC000  }
0x65: {  	p0 =	sne.s32 s6, $0x1;
	[sflag:s1] =	ssyncset.done $0x0  }
.Ltmp0:
0x66: {  	s0 =	rddreg [dreg:$0x4];
	[sflag:s1] =	ssyncadd.s32 $0xFFFF4000;
	(pc) =	sbr.rel @p0 .LBB2_1-.Ltmp0, $4  }
0x67: {  	[hbm4b:s0+s2] =	stream.linear.scatter [tilespmem:s8], [sflag:$0x2], $0xC000, $0x38;
	[tilespmem:$0xC080] =	vst v63  }
0x68: {  	_ =	swait.ge [sflag:s7], $0xC000  }
0x69: {  	[sflag:s7] =	ssyncset.done $0x0  }
0x6a: {  	s6 =	sadd.s32 $0xFFFFFFFF, s6;
	[sflag:s7] =	ssyncadd.s32 $0xFFFF4000  }
0x6b: {  	_ =	sfence.sel $0x180000  }
0x6c: {  	[bflag:$0x0] =	sbarrier.arrive $0xFFFF  }
0x6d: {  	_ =	strace $0x90000047  }
0x6e: {  	s0 =	stileid.u32;
	[bflag:$0x2] =	sbarrier.arrive $0xFFFF  }
0x6f: {  	p0 =	sne.s32 s0, $0x0;
	s0 =	rddreg [dreg:$0x2]  }
0x70: {  	s0 =	sadd.s32 @!p0 $0x100000, s0  }
0x71: {  	[sflag:s0] =	ssyncadd.tile.s32 @!p0 $0x1;
	_ =	shalt  }
.Lfunc_end2:
_tile_overlayer_lowered:
.L_overlay_start_2:
0x72: {  	(tag) =	ssettag $0x2  }
0x73: {  	s0 =	rddreg [dreg:$0x0];
	s2 =	stileid.u32  }
0x74: {  	s1 =	rddreg [dreg:$0x1];
	p0 =	sne.s32 s2, $0x0  }
0x75: {  	s3 =	rddreg [dreg:$0x2];
	[bflag:$0x3] =	sbarrier.arrive $0xFFFF;
	s2 =	simm.s32 @!p0 $0x1C02  }
0x76: {  	[timem:s3], [sflag:s2] =	dma.local @!p0 [hbm:s0], s1  }
0x77: {  	s0 =	simm.s32 @!p0 $0x2  }
0x78: {  	_ =	swait.ge @!p0 [sflag:s0], s1  }
0x79: {  	s1 =	ssub.s32 @!p0 $0x0, s1;
	[sflag:s0] =	ssyncset.done @!p0 $0x0  }
0x7a: {  	[sflag:s0] =	ssyncadd.s32 @!p0 s1  }
0x7b: {  	[bflag:$0x3] =	sbarrier.arrive $0xFFFF  }
0x7c: {  	_ =	shalt  }

</sc_bundles>
